<compile_context>
chip_gen: v7x
topology: tpu7x:2x2x1
jax: 0.10.2.dev20260603
libtpu: 0.0.44.dev20260713+nightly
codegen_flags: <defaults>
</compile_context>

<pallas_src>
import functools

import jax
import jax.numpy as jnp
from jax import lax
from jax.experimental import pallas as pl
from jax.experimental.pallas import tpu as pltpu
from jax.experimental.pallas import tpu_sc as plsc

NUM_GROUPS = 512
GROUP_SIZE = 32
EMBED_DIM = 384
B = 8
N = 8192
BM = B * NUM_GROUPS
ROWS = BM * GROUP_SIZE
DPAD = 16



def _fps_body(xs_ref, ys_ref, zs_ref, idx_ref, cx_ref, cy_ref, cz_ref):
    xs = xs_ref[...]
    ys = ys_ref[...]
    zs = zs_ref[...]
    iota_n = lax.broadcasted_iota(jnp.int32, (B, N), 1)
    iota_m = lax.broadcasted_iota(jnp.int32, (B, NUM_GROUPS), 1)

    idx_ref[...] = jnp.zeros((B, NUM_GROUPS), dtype=jnp.int32)
    cx_ref[...] = jnp.zeros((B, NUM_GROUPS), dtype=jnp.float32)
    cy_ref[...] = jnp.zeros((B, NUM_GROUPS), dtype=jnp.float32)
    cz_ref[...] = jnp.zeros((B, NUM_GROUPS), dtype=jnp.float32)

    def body(i, carry):
        dist, far = carry
        onehot = iota_n == far
        cx = jnp.sum(jnp.where(onehot, xs, 0.0), axis=1, keepdims=True)
        cy = jnp.sum(jnp.where(onehot, ys, 0.0), axis=1, keepdims=True)
        cz = jnp.sum(jnp.where(onehot, zs, 0.0), axis=1, keepdims=True)
        sel_i = (iota_m == i).astype(jnp.int32)
        sel_f = sel_i.astype(jnp.float32)
        idx_ref[...] = idx_ref[...] + far * sel_i
        cx_ref[...] = cx_ref[...] + cx * sel_f
        cy_ref[...] = cy_ref[...] + cy * sel_f
        cz_ref[...] = cz_ref[...] + cz * sel_f
        dx = xs - cx
        dy = ys - cy
        dz = zs - cz
        d = dx * dx + dy * dy + dz * dz
        dist = jnp.minimum(dist, d)
        m = jnp.max(dist, axis=1, keepdims=True)
        far = jnp.min(jnp.where(dist == m, iota_n, N), axis=1, keepdims=True)
        return dist, far

    init = (
        jnp.full((B, N), 1e10, dtype=jnp.float32),
        jnp.min(iota_n * 0, axis=1, keepdims=True),
    )
    lax.fori_loop(0, NUM_GROUPS, body, init)


def _fps(xyz):
    out_shapes = (
        jax.ShapeDtypeStruct((B, NUM_GROUPS), jnp.int32),
        jax.ShapeDtypeStruct((B, NUM_GROUPS), jnp.float32),
        jax.ShapeDtypeStruct((B, NUM_GROUPS), jnp.float32),
        jax.ShapeDtypeStruct((B, NUM_GROUPS), jnp.float32),
    )
    idx, cx, cy, cz = pl.pallas_call(
        _fps_body,
        out_shape=out_shapes,
    )(xyz[:, :, 0], xyz[:, :, 1], xyz[:, :, 2])
    centers = jnp.stack([cx, cy, cz], axis=-1)
    return idx, centers



_CBLK = 512


def _select_body(xs_ref, ys_ref, zs_ref, cx_ref, cy_ref, cz_ref, idx_ref,
                 d2_ref):
    b = pl.program_id(0)
    xs = xs_ref[0]
    ys = ys_ref[0]
    zs = zs_ref[0]
    cx = cx_ref[0]
    cy = cy_ref[0]
    cz = cz_ref[0]
    cn2 = xs * xs + ys * ys + zs * zs
    cm2 = cx * cx + cy * cy + cz * cz
    cmat = jnp.concatenate([cx, cy, cz], axis=1)
    xmat = jnp.concatenate([xs, ys, zs], axis=0)
    prod = jnp.dot(cmat, xmat, preferred_element_type=jnp.float32)
    d2_ref[...] = (cm2 - 2.0 * prod) + cn2
    iota_n = lax.broadcasted_iota(jnp.int32, (_CBLK, N), 1)
    iota_k = lax.broadcasted_iota(jnp.int32, (_CBLK, GROUP_SIZE), 1)
    base = b * N
    idx_ref[...] = jnp.zeros((1, _CBLK, GROUP_SIZE), jnp.int32)

    def step(kk, _):
        dist = d2_ref[...]
        m = jnp.min(dist, axis=1, keepdims=True)
        amin = jnp.min(jnp.where(dist == m, iota_n, N), axis=1, keepdims=True)
        sel = (iota_k == kk).astype(jnp.int32)
        idx_ref[...] = idx_ref[...] + ((amin + base) * sel)[None]
        d2_ref[...] = jnp.where(iota_n == amin, 1e30, dist)
        return 0

    lax.fori_loop(0, GROUP_SIZE, step, 0)


def _select(xyz, centers):
    cT = centers[..., None]
    idx = pl.pallas_call(
        _select_body,
        grid=(B, NUM_GROUPS // _CBLK),
        in_specs=[
            pl.BlockSpec((1, 1, N), lambda b, c: (b, 0, 0)),
            pl.BlockSpec((1, 1, N), lambda b, c: (b, 0, 0)),
            pl.BlockSpec((1, 1, N), lambda b, c: (b, 0, 0)),
            pl.BlockSpec((1, _CBLK, 1), lambda b, c: (b, c, 0)),
            pl.BlockSpec((1, _CBLK, 1), lambda b, c: (b, c, 0)),
            pl.BlockSpec((1, _CBLK, 1), lambda b, c: (b, c, 0)),
        ],
        out_specs=pl.BlockSpec((1, _CBLK, GROUP_SIZE), lambda b, c: (b, c, 0)),
        out_shape=jax.ShapeDtypeStruct((B, NUM_GROUPS, GROUP_SIZE), jnp.int32),
        scratch_shapes=[pltpu.VMEM((_CBLK, N), jnp.float32)],
        compiler_params=pltpu.CompilerParams(
            vmem_limit_bytes=110 * 1024 * 1024,
            dimension_semantics=("parallel", "parallel")),
    )(xyz[:, :, 0].reshape(B, 1, N), xyz[:, :, 1].reshape(B, 1, N),
      xyz[:, :, 2].reshape(B, 1, N),
      cT[:, :, 0], cT[:, :, 1], cT[:, :, 2])
    return idx



_IDX_CHUNK = 128
_N_CHUNKS = ROWS // _IDX_CHUNK


def _gather(table, idx_flat):
    info = plsc.get_sparse_core_info()
    nw = info.num_cores * info.num_subcores
    per_w = _N_CHUNKS // nw
    mesh = plsc.VectorSubcoreMesh(core_axis_name="c", subcore_axis_name="s")

    @functools.partial(
        pl.kernel,
        out_type=jax.ShapeDtypeStruct((ROWS, DPAD), jnp.float32),
        mesh=mesh,
        scratch_types=[
            pltpu.VMEM((_IDX_CHUNK,), jnp.int32),
            pltpu.VMEM((_IDX_CHUNK, DPAD), jnp.float32),
            pltpu.SemaphoreType.DMA,
        ],
        compiler_params=pltpu.CompilerParams(use_tc_tiling_on_sc=False),
    )
    def k(table_hbm, idx_hbm, out_hbm, idx_v, rows_v, sem):
        wid = lax.axis_index("s") * info.num_cores + lax.axis_index("c")
        base = wid * per_w

        def body(j, _):
            row = base + j
            pltpu.sync_copy(idx_hbm.at[row], idx_v)
            pltpu.async_copy(table_hbm.at[idx_v], rows_v, sem).wait()
            pltpu.sync_copy(rows_v, out_hbm.at[pl.ds(row * _IDX_CHUNK, _IDX_CHUNK)])
            return 0

        lax.fori_loop(0, per_w, body, 0)

    return k(table, idx_flat.reshape(_N_CHUNKS, _IDX_CHUNK))



_RBLK = 8192


def _mlp_a_body(g_ref, c_ref, w_ref, b_ref, h_ref, s_ref, q_ref):
    i = pl.program_id(0)

    @pl.when(i == 0)
    def _():
        s_ref[...] = jnp.zeros_like(s_ref)
        q_ref[...] = jnp.zeros_like(q_ref)

    local = g_ref[...] - c_ref[...]
    h = jnp.dot(local, w_ref[...], preferred_element_type=jnp.float32) + b_ref[...]
    h_ref[...] = h
    s_ref[...] = s_ref[...] + jnp.sum(h, axis=0, keepdims=True)
    q_ref[...] = q_ref[...] + jnp.sum(h * h, axis=0, keepdims=True)


def _mlp_mid_body(h_ref, sc_ref, sh_ref, w_ref, b_ref, o_ref, s_ref, q_ref):
    i = pl.program_id(0)

    @pl.when(i == 0)
    def _():
        s_ref[...] = jnp.zeros_like(s_ref)
        q_ref[...] = jnp.zeros_like(q_ref)

    a = jnp.maximum(h_ref[...] * sc_ref[...] + sh_ref[...], 0.0)
    h = jnp.dot(a, w_ref[...], preferred_element_type=jnp.float32) + b_ref[...]
    o_ref[...] = h
    s_ref[...] = s_ref[...] + jnp.sum(h, axis=0, keepdims=True)
    q_ref[...] = q_ref[...] + jnp.sum(h * h, axis=0, keepdims=True)


def _mlp_d_body(h_ref, sc_ref, sh_ref, w_ref, b_ref, pe_ref, t_ref):
    a = jnp.maximum(h_ref[...] * sc_ref[...] + sh_ref[...], 0.0)
    h = jnp.dot(a, w_ref[...], preferred_element_type=jnp.float32) + b_ref[...]
    hg = h.reshape(_RBLK // GROUP_SIZE, GROUP_SIZE, EMBED_DIM)
    t_ref[...] = jnp.max(hg, axis=1) + pe_ref[...]


def _mlp_stage_a(g, c, w, b):
    nblk = ROWS // _RBLK
    cout = w.shape[1]
    return pl.pallas_call(
        _mlp_a_body,
        grid=(nblk,),
        in_specs=[
            pl.BlockSpec((_RBLK, DPAD), lambda i: (i, 0)),
            pl.BlockSpec((_RBLK, DPAD), lambda i: (i, 0)),
            pl.BlockSpec(w.shape, lambda i: (0, 0)),
            pl.BlockSpec((1, cout), lambda i: (0, 0)),
        ],
        out_specs=[
            pl.BlockSpec((_RBLK, cout), lambda i: (i, 0)),
            pl.BlockSpec((1, cout), lambda i: (0, 0)),
            pl.BlockSpec((1, cout), lambda i: (0, 0)),
        ],
        out_shape=[
            jax.ShapeDtypeStruct((ROWS, cout), jnp.float32),
            jax.ShapeDtypeStruct((1, cout), jnp.float32),
            jax.ShapeDtypeStruct((1, cout), jnp.float32),
        ],
    )(g, c, w, b)


def _mlp_stage_mid(h, scale, shift, w, b):
    nblk = ROWS // _RBLK
    cin = h.shape[1]
    cout = w.shape[1]
    return pl.pallas_call(
        _mlp_mid_body,
        grid=(nblk,),
        in_specs=[
            pl.BlockSpec((_RBLK, cin), lambda i: (i, 0)),
            pl.BlockSpec((1, cin), lambda i: (0, 0)),
            pl.BlockSpec((1, cin), lambda i: (0, 0)),
            pl.BlockSpec((cin, cout), lambda i: (0, 0)),
            pl.BlockSpec((1, cout), lambda i: (0, 0)),
        ],
        out_specs=[
            pl.BlockSpec((_RBLK, cout), lambda i: (i, 0)),
            pl.BlockSpec((1, cout), lambda i: (0, 0)),
            pl.BlockSpec((1, cout), lambda i: (0, 0)),
        ],
        out_shape=[
            jax.ShapeDtypeStruct((ROWS, cout), jnp.float32),
            jax.ShapeDtypeStruct((1, cout), jnp.float32),
            jax.ShapeDtypeStruct((1, cout), jnp.float32),
        ],
    )(h, scale, shift, w, b)


def _mlp_stage_d(h, scale, shift, w, b, pe):
    nblk = ROWS // _RBLK
    gblk = _RBLK // GROUP_SIZE
    cin = h.shape[1]
    return pl.pallas_call(
        _mlp_d_body,
        grid=(nblk,),
        in_specs=[
            pl.BlockSpec((_RBLK, cin), lambda i: (i, 0)),
            pl.BlockSpec((1, cin), lambda i: (0, 0)),
            pl.BlockSpec((1, cin), lambda i: (0, 0)),
            pl.BlockSpec((cin, EMBED_DIM), lambda i: (0, 0)),
            pl.BlockSpec((1, EMBED_DIM), lambda i: (0, 0)),
            pl.BlockSpec((gblk, EMBED_DIM), lambda i: (i, 0)),
        ],
        out_specs=pl.BlockSpec((gblk, EMBED_DIM), lambda i: (i, 0)),
        out_shape=jax.ShapeDtypeStruct((BM, EMBED_DIM), jnp.float32),
    )(h, scale, shift, w, b, pe)


def _bn_affine(s, q, g, beta):
    mean = s / ROWS
    var = q / ROWS - mean * mean
    scale = g[None, :] / jnp.sqrt(var + 1e-5)
    shift = beta[None, :] - mean * scale
    return scale, shift



def kernel(points, conv1_w, conv1_b, bn1_g, bn1_b, conv2_w, conv2_b, bn2_g,
           bn2_b, conv3_w, conv3_b, bn3_g, bn3_b, conv4_w, conv4_b, pos_w1,
           pos_b1, pos_w2, pos_b2):
    f32 = jnp.float32
    xyz = points[:, :, :3]
    _, centers = _fps(xyz)

    idx = _select(xyz, centers)

    table = jnp.concatenate(
        [xyz, points, jnp.zeros((B, N, DPAD - 9), f32)], axis=-1
    ).reshape(B * N, DPAD)
    gathered = _gather(table, idx.reshape(-1))

    cpad = jnp.concatenate(
        [centers, jnp.zeros((B, NUM_GROUPS, DPAD - 3), f32)], axis=-1)
    cpad = jnp.broadcast_to(
        cpad[:, :, None, :], (B, NUM_GROUPS, GROUP_SIZE, DPAD)
    ).reshape(ROWS, DPAD)

    w1p = jnp.zeros((DPAD, 64), f32).at[:9, :].set(conv1_w.T)
    h1, s1, q1 = _mlp_stage_a(gathered, cpad, w1p, conv1_b[None, :])
    sc1, sh1 = _bn_affine(s1, q1, bn1_g, bn1_b)

    h2, s2, q2 = _mlp_stage_mid(h1, sc1, sh1, conv2_w.T, conv2_b[None, :])
    sc2, sh2 = _bn_affine(s2, q2, bn2_g, bn2_b)

    h3, s3, q3 = _mlp_stage_mid(h2, sc2, sh2, conv3_w.T, conv3_b[None, :])
    sc3, sh3 = _bn_affine(s3, q3, bn3_g, bn3_b)

    pe = (jax.nn.gelu(centers @ pos_w1.T + pos_b1, approximate=False)
          @ pos_w2.T + pos_b2).reshape(BM, EMBED_DIM)

    tokens = _mlp_stage_d(h3, sc3, sh3, conv4_w.T, conv4_b[None, :], pe)
    return tokens.reshape(B, NUM_GROUPS, EMBED_DIM), centers

# --- scband reference (transcript-rebuilt; emitter-appended) ---
"""Pipeline reference for scband-point-tokenizer-23699629540067 (READ-ONLY COPY).

The authoritative reference and input builder live on the scoring server;
editing this copy changes nothing except your own understanding.
"""

import jax, jax.numpy as jnp
import numpy as np

NUM_GROUPS = 512
GROUP_SIZE = 32
IN_CHANNELS = 6
EMBED_DIM = 384


def farthest_point_sample(xyz, n_points):
    B, N, _ = xyz.shape
    def body(i, carry):
        centroids, distance, farthest = carry
        centroids = centroids.at[:, i].set(farthest)
        centroid = xyz[jnp.arange(B), farthest][:, None, :]
        dist = jnp.sum((xyz - centroid) ** 2, axis=-1)
        distance = jnp.minimum(distance, dist)
        farthest = jnp.argmax(distance, axis=-1).astype(jnp.int32)
        return (centroids, distance, farthest)
    init = (jnp.zeros((B, n_points), dtype=jnp.int32),
            jnp.full((B, N), 1e10, dtype=xyz.dtype),
            jnp.zeros((B,), dtype=jnp.int32))
    centroids, _, _ = jax.lax.fori_loop(0, n_points, body, init)
    return centroids


def setup_inputs(seed: int = 0):
    key = jax.random.key(seed)
    ks = jax.random.split(key, 16)
    B, N = 8, 8192
    inp = {"points": jax.random.normal(ks[0], (B, N, IN_CHANNELS), dtype=jnp.float32)}
    c_in = 3 + IN_CHANNELS
    dims = [(64, c_in), (128, 64), (256, 128)]
    for i, (o, c) in enumerate(dims, start=1):
        inp["conv%d_w" % i] = jax.random.normal(ks[i], (o, c), dtype=jnp.float32) * (1.0 / np.sqrt(c))
        inp["conv%d_b" % i] = jnp.zeros((o,), dtype=jnp.float32)
        inp["bn%d_g" % i] = jnp.ones((o,), dtype=jnp.float32)
        inp["bn%d_b" % i] = jnp.zeros((o,), dtype=jnp.float32)
    inp["conv4_w"] = jax.random.normal(ks[4], (EMBED_DIM, 256), dtype=jnp.float32) * (1.0 / np.sqrt(256))
    inp["conv4_b"] = jnp.zeros((EMBED_DIM,), dtype=jnp.float32)
    inp["pos_w1"] = jax.random.normal(ks[5], (128, 3), dtype=jnp.float32) * (1.0 / np.sqrt(3))
    inp["pos_b1"] = jnp.zeros((128,), dtype=jnp.float32)
    inp["pos_w2"] = jax.random.normal(ks[6], (EMBED_DIM, 128), dtype=jnp.float32) * (1.0 / np.sqrt(128))
    inp["pos_b2"] = jnp.zeros((EMBED_DIM,), dtype=jnp.float32)
    return inp


def _forward(points, center_idx, conv1_w, conv1_b, bn1_g, bn1_b, conv2_w, conv2_b, bn2_g, bn2_b, conv3_w, conv3_b, bn3_g, bn3_b, conv4_w, conv4_b, pos_w1, pos_b1, pos_w2, pos_b2):
    B, N, C = points.shape
    xyz = points[:, :, :3]
    features = points
    batch_idx = jnp.arange(B)[:, None]
    centers = xyz[batch_idx, center_idx]
    d2 = (jnp.sum(centers ** 2, -1)[:, :, None]
          - 2.0 * jnp.einsum('bmd,bnd->bmn', centers, xyz)
          + jnp.sum(xyz ** 2, -1)[:, None, :])
    _, group_idx = jax.lax.top_k(-jax.lax.stop_gradient(d2), GROUP_SIZE)
    be = jnp.arange(B)[:, None, None]
    grouped_xyz = xyz[be, group_idx] - centers[:, :, None, :]
    grouped_features = features[be, group_idx]
    local_input = jnp.concatenate([grouped_xyz, grouped_features], axis=-1)
    M, k = NUM_GROUPS, GROUP_SIZE
    h = local_input.reshape(B * M, k, -1).transpose(0, 2, 1)
    def conv_bn_relu(h, w, b, g, beta):
        h = jnp.einsum('oc,bck->bok', w, h) + b[None, :, None]
        mean = jnp.mean(h, axis=(0, 2), keepdims=True)
        var = jnp.var(h, axis=(0, 2), keepdims=True)
        h = (h - mean) / jnp.sqrt(var + 1e-5) * g[None, :, None] + beta[None, :, None]
        return jax.nn.relu(h)
    h = conv_bn_relu(h, conv1_w, conv1_b, bn1_g, bn1_b)
    h = conv_bn_relu(h, conv2_w, conv2_b, bn2_g, bn2_b)
    h = conv_bn_relu(h, conv3_w, conv3_b, bn3_g, bn3_b)
    h = jnp.einsum('oc,bck->bok', conv4_w, h) + conv4_b[None, :, None]
    tokens = jnp.max(h, axis=-1).reshape(B, M, EMBED_DIM)
    pe = jax.nn.gelu(centers @ pos_w1.T + pos_b1, approximate=False) @ pos_w2.T + pos_b2
    tokens = tokens + pe
    return tokens, centers


def reference(points, conv1_w, conv1_b, bn1_g, bn1_b, conv2_w, conv2_b, bn2_g, bn2_b, conv3_w, conv3_b, bn3_g, bn3_b, conv4_w, conv4_b, pos_w1, pos_b1, pos_w2, pos_b2):
    xyz = points[:, :, :3]
    center_idx = farthest_point_sample(xyz, NUM_GROUPS)
    return _forward(points, center_idx, conv1_w, conv1_b, bn1_g, bn1_b, conv2_w, conv2_b, bn2_g, bn2_b, conv3_w, conv3_b, bn3_g, bn3_b, conv4_w, conv4_b, pos_w1, pos_b1, pos_w2, pos_b2)

if __name__ == "__main__":
    import jax
    _d = setup_inputs()
    print(jax.jit(kernel)(*tuple(_d.values())))

</pallas_src>

<mosaic_0001>
#map = affine_map<(d0, d1) -> (0, 0)>
module attributes {stable_mosaic.version = 14 : i64} {
  func.func @k(%arg0: i32, %arg1: i32, %arg2: memref<65536x16xf32, #tpu.memory_space<hbm>>, %arg3: memref<1024x128xi32, #tpu.memory_space<hbm>>, %arg4: memref<131072x16xf32, #tpu.memory_space<hbm>>, %arg5: memref<128xi32, #tpu.memory_space<vmem>>, %arg6: memref<128x16xf32, #tpu.memory_space<vmem>>, %arg7: memref<!tpu.dma_semaphore, #tpu.memory_space<semaphore_mem>>) attributes {dimension_semantics = [#tpu.dimension_semantics<core_parallel>, #tpu.dimension_semantics<subcore_parallel>], iteration_bounds = array<i64: 2, 16>, scalar_prefetch = 0 : i64, scratch_operands = 3 : i64, tpu.core_type = #tpu.core_type<sc_vector_subcore>, window_params = [{transform_indices = #map}, {transform_indices = #map}, {transform_indices = #map}]} {
    %mul3A = arith.constant 2 : i32
    %mul3A_0 = arith.muli %arg1, %mul3A : i32
    %add3A = arith.addi %mul3A_0, %arg0 : i32
    %mul3A_1 = arith.constant 32 : i32
    %mul3A_2 = arith.muli %add3A, %mul3A_1 : i32
    %scan3A = arith.constant 0 : i32
    %scan3A_3 = arith.constant 0 : i32
    %scan3A_4 = arith.constant 32 : i32
    %scan3A_5 = arith.addi %scan3A_3, %scan3A_4 : i32
    %scan3A_6 = arith.constant 1 : i32
    %scan3A_7 = scf.for %scan3A_9 = %scan3A_3 to %scan3A_5 step %scan3A_6 iter_args(%scan3A_10 = %scan3A) -> (i32)  : i32 {
      %add3A_11 = arith.addi %mul3A_2, %scan3A_9 : i32
      "tpu.region"() ({
        %run_scoped3A = tpu.sem_alloc : memref<!tpu.dma_semaphore, #tpu.memory_space<semaphore_mem>>
        %dma_start3A_19 = arith.constant 0 : i32
        %dma_start3A_20 = tpu.memref_slice %arg3[%add3A_11, %dma_start3A_19] : memref<1024x128xi32, #tpu.memory_space<hbm>> -> memref<1x128xi32, #tpu.memory_space<hbm>>
        %dma_start3A_21 = tpu.memref_squeeze %dma_start3A_20 : memref<1x128xi32, #tpu.memory_space<hbm>> -> memref<128xi32, #tpu.memory_space<hbm>>
        %dma_start3A_22 = arith.constant 0 : i32
        %dma_start3A_23 = tpu.memref_slice %arg3[%add3A_11, %dma_start3A_22] : memref<1024x128xi32, #tpu.memory_space<hbm>> -> memref<1x128xi32, #tpu.memory_space<hbm>>
        %dma_start3A_24 = tpu.memref_squeeze %dma_start3A_23 : memref<1x128xi32, #tpu.memory_space<hbm>> -> memref<128xi32, #tpu.memory_space<hbm>>
        tpu.enqueue_dma source(%dma_start3A_24 : memref<128xi32, #tpu.memory_space<hbm>>) target(%arg5 : memref<128xi32, #tpu.memory_space<vmem>>) target_semaphore(%run_scoped3A : memref<!tpu.dma_semaphore, #tpu.memory_space<semaphore_mem>>)
        %dma_wait3A_25 = arith.constant 0 : i32
        %dma_wait3A_26 = tpu.memref_slice %arg3[%add3A_11, %dma_wait3A_25] : memref<1024x128xi32, #tpu.memory_space<hbm>> -> memref<1x128xi32, #tpu.memory_space<hbm>>
        %dma_wait3A_27 = tpu.memref_squeeze %dma_wait3A_26 : memref<1x128xi32, #tpu.memory_space<hbm>> -> memref<128xi32, #tpu.memory_space<hbm>>
        %dma_wait3A_28 = arith.constant 0 : i32
        %dma_wait3A_29 = tpu.memref_slice %arg3[%add3A_11, %dma_wait3A_28] : memref<1024x128xi32, #tpu.memory_space<hbm>> -> memref<1x128xi32, #tpu.memory_space<hbm>>
        %dma_wait3A_30 = tpu.memref_squeeze %dma_wait3A_29 : memref<1x128xi32, #tpu.memory_space<hbm>> -> memref<128xi32, #tpu.memory_space<hbm>>
        tpu.wait_dma2 semaphore(%run_scoped3A : memref<!tpu.dma_semaphore, #tpu.memory_space<semaphore_mem>>) src(%dma_wait3A_30 : memref<128xi32, #tpu.memory_space<hbm>>) dst(%arg5 : memref<128xi32, #tpu.memory_space<vmem>>)
        tpu.yield
      }) : () -> ()
      %dma_start3A = arith.constant 0 : i32
      %dma_start3A_12 = arith.constant 0 : i32
      %dma_start3A_13 = tpu.memref_slice %arg2[%dma_start3A, %dma_start3A_12] : memref<65536x16xf32, #tpu.memory_space<hbm>> -> memref<65536x16xf32, #tpu.memory_space<hbm>>
      tpu.enqueue_indirect_dma source(%dma_start3A_13 : memref<65536x16xf32, #tpu.memory_space<hbm>>) target(%arg6 : memref<128x16xf32, #tpu.memory_space<vmem>>) offsets(%arg5 : memref<128xi32, #tpu.memory_space<vmem>>) semaphore(%arg7 : memref<!tpu.dma_semaphore, #tpu.memory_space<semaphore_mem>>)
      %dma_wait3A = arith.constant 0 : i32
      %dma_wait3A_14 = arith.constant 0 : i32
      %dma_wait3A_15 = tpu.memref_slice %arg2[%dma_wait3A, %dma_wait3A_14] : memref<65536x16xf32, #tpu.memory_space<hbm>> -> memref<65536x16xf32, #tpu.memory_space<hbm>>
      tpu.wait_indirect_dma semaphore(%arg7 : memref<!tpu.dma_semaphore, #tpu.memory_space<semaphore_mem>>) src(%dma_wait3A_15 : memref<65536x16xf32, #tpu.memory_space<hbm>>) dst(%arg6 : memref<128x16xf32, #tpu.memory_space<vmem>>)
      %mul3A_16 = arith.constant 128 : i32
      %mul3A_17 = arith.muli %add3A_11, %mul3A_16 : i32
      "tpu.region"() ({
        %run_scoped3A = tpu.sem_alloc : memref<!tpu.dma_semaphore, #tpu.memory_space<semaphore_mem>>
        %dma_start3A_19 = arith.constant 0 : i32
        %dma_start3A_20 = tpu.memref_slice %arg4[%mul3A_17, %dma_start3A_19] : memref<131072x16xf32, #tpu.memory_space<hbm>> -> memref<128x16xf32, #tpu.memory_space<hbm>>
        %dma_start3A_21 = arith.constant 0 : i32
        %dma_start3A_22 = tpu.memref_slice %arg4[%mul3A_17, %dma_start3A_21] : memref<131072x16xf32, #tpu.memory_space<hbm>> -> memref<128x16xf32, #tpu.memory_space<hbm>>
        tpu.enqueue_dma source(%arg6 : memref<128x16xf32, #tpu.memory_space<vmem>>) target(%dma_start3A_22 : memref<128x16xf32, #tpu.memory_space<hbm>>) target_semaphore(%run_scoped3A : memref<!tpu.dma_semaphore, #tpu.memory_space<semaphore_mem>>)
        %dma_wait3A_23 = arith.constant 0 : i32
        %dma_wait3A_24 = tpu.memref_slice %arg4[%mul3A_17, %dma_wait3A_23] : memref<131072x16xf32, #tpu.memory_space<hbm>> -> memref<128x16xf32, #tpu.memory_space<hbm>>
        %dma_wait3A_25 = arith.constant 0 : i32
        %dma_wait3A_26 = tpu.memref_slice %arg4[%mul3A_17, %dma_wait3A_25] : memref<131072x16xf32, #tpu.memory_space<hbm>> -> memref<128x16xf32, #tpu.memory_space<hbm>>
        tpu.wait_dma2 semaphore(%run_scoped3A : memref<!tpu.dma_semaphore, #tpu.memory_space<semaphore_mem>>) src(%arg6 : memref<128x16xf32, #tpu.memory_space<vmem>>) dst(%dma_wait3A_26 : memref<128x16xf32, #tpu.memory_space<hbm>>)
        tpu.yield
      }) : () -> ()
      %scan3A_18 = arith.constant 0 : i32
      scf.yield %scan3A_18 : i32
    }
    %scan3A_8 = arith.constant 32 : i32
    return
  }
}

module attributes {stable_mosaic.version = 14 : i64} {
  func.func @_fps_body(%arg0: memref<8x8192xf32, #tpu.memory_space<vmem>>, %arg1: memref<8x8192xf32, #tpu.memory_space<vmem>>, %arg2: memref<8x8192xf32, #tpu.memory_space<vmem>>, %arg3: memref<8x512xi32, #tpu.memory_space<vmem>>, %arg4: memref<8x512xf32, #tpu.memory_space<vmem>>, %arg5: memref<8x512xf32, #tpu.memory_space<vmem>>, %arg6: memref<8x512xf32, #tpu.memory_space<vmem>>) attributes {dimension_semantics = [], scalar_prefetch = 0 : i64, scratch_operands = 0 : i64, tpu.core_type = #tpu.core_type<tc>} {
    %get3A = arith.constant 0 : index
    %get3A_0 = arith.constant 0 : index
    %get3A_1 = vector.load %arg0[%get3A, %get3A_0] : memref<8x8192xf32, #tpu.memory_space<vmem>>, vector<8x8192xf32>
    %get3A_2 = arith.constant 0 : index
    %get3A_3 = arith.constant 0 : index
    %get3A_4 = vector.load %arg1[%get3A_2, %get3A_3] : memref<8x8192xf32, #tpu.memory_space<vmem>>, vector<8x8192xf32>
    %get3A_5 = arith.constant 0 : index
    %get3A_6 = arith.constant 0 : index
    %get3A_7 = vector.load %arg2[%get3A_5, %get3A_6] : memref<8x8192xf32, #tpu.memory_space<vmem>>, vector<8x8192xf32>
    %iota3A = tpu.iota {dimensions = array<i32: 1>} : vector<8x8192xi32>
    %iota3A_8 = tpu.iota {dimensions = array<i32: 1>} : vector<8x512xi32>
    %broadcast_in_dim3A = arith.constant 0 : i32
    %broadcast_in_dim3A_9 = vector.broadcast %broadcast_in_dim3A : i32 to vector<8x512xi32>
    %swap3A = arith.constant 0 : index
    %swap3A_10 = arith.constant 0 : index
    %swap3A_11 = vector.load %arg3[%swap3A, %swap3A_10] : memref<8x512xi32, #tpu.memory_space<vmem>>, vector<8x512xi32>
    tpu.vector_store %arg3[%swap3A, %swap3A_10], %broadcast_in_dim3A_9 {strides = array<i32>} : memref<8x512xi32, #tpu.memory_space<vmem>>, vector<8x512xi32>,
    %broadcast_in_dim3A_12 = arith.constant 0.000000e+00 : f32
    %broadcast_in_dim3A_13 = vector.broadcast %broadcast_in_dim3A_12 : f32 to vector<8x512xf32>
    %swap3A_14 = arith.constant 0 : index
    %swap3A_15 = arith.constant 0 : index
    %swap3A_16 = vector.load %arg4[%swap3A_14, %swap3A_15] : memref<8x512xf32, #tpu.memory_space<vmem>>, vector<8x512xf32>
    tpu.vector_store %arg4[%swap3A_14, %swap3A_15], %broadcast_in_dim3A_13 {strides = array<i32>} : memref<8x512xf32, #tpu.memory_space<vmem>>, vector<8x512xf32>,
    %broadcast_in_dim3A_17 = arith.constant 0.000000e+00 : f32
    %broadcast_in_dim3A_18 = vector.broadcast %broadcast_in_dim3A_17 : f32 to vector<8x512xf32>
    %swap3A_19 = arith.constant 0 : index
    %swap3A_20 = arith.constant 0 : index
    %swap3A_21 = vector.load %arg5[%swap3A_19, %swap3A_20] : memref<8x512xf32, #tpu.memory_space<vmem>>, vector<8x512xf32>
    tpu.vector_store %arg5[%swap3A_19, %swap3A_20], %broadcast_in_dim3A_18 {strides = array<i32>} : memref<8x512xf32, #tpu.memory_space<vmem>>, vector<8x512xf32>,
    %broadcast_in_dim3A_22 = arith.constant 0.000000e+00 : f32
    %broadcast_in_dim3A_23 = vector.broadcast %broadcast_in_dim3A_22 : f32 to vector<8x512xf32>
    %swap3A_24 = arith.constant 0 : index
    %swap3A_25 = arith.constant 0 : index
    %swap3A_26 = vector.load %arg6[%swap3A_24, %swap3A_25] : memref<8x512xf32, #tpu.memory_space<vmem>>, vector<8x512xf32>
    tpu.vector_store %arg6[%swap3A_24, %swap3A_25], %broadcast_in_dim3A_23 {strides = array<i32>} : memref<8x512xf32, #tpu.memory_space<vmem>>, vector<8x512xf32>,
    %broadcast_in_dim3A_27 = arith.constant 1.000000e+10 : f32
    %broadcast_in_dim3A_28 = vector.broadcast %broadcast_in_dim3A_27 : f32 to vector<8x8192xf32>
    %mul3A = arith.constant 0 : i32
    %mul3A_29 = vector.broadcast %mul3A : i32 to vector<8x8192xi32>
    %mul3A_30 = arith.muli %iota3A, %mul3A_29 : vector<8x8192xi32>
    %reduce_min3A = arith.constant dense<2147483647> : vector<8xi32>
    %reduce_min3A_31 = vector.multi_reduction <minsi>, %mul3A_30, %reduce_min3A [1] : vector<8x8192xi32> to vector<8xi32>
    %broadcast_in_dim3A_32 = vector.shape_cast %reduce_min3A_31 : vector<8xi32> to vector<8x1xi32>
    %scan3A = arith.constant 0 : i32
    %scan3A_33 = arith.constant 512 : i32
    %scan3A_34 = arith.addi %scan3A, %scan3A_33 : i32
    %scan3A_35 = arith.constant 1 : i32
    %scan3A_36:2 = scf.for %scan3A_38 = %scan3A to %scan3A_34 step %scan3A_35 iter_args(%scan3A_39 = %broadcast_in_dim3A_28, %scan3A_40 = %broadcast_in_dim3A_32) -> (vector<8x8192xf32>, vector<8x1xi32>)  : i32 {
      %eq3A = vector.broadcast %scan3A_40 : vector<8x1xi32> to vector<8x8192xi32>
      %eq3A_41 = arith.cmpi eq, %iota3A, %eq3A : vector<8x8192xi32>
      %jit3A = arith.constant 0.000000e+00 : f32
      %broadcast_in_dim3A_42 = vector.broadcast %jit3A : f32 to vector<8x8192xf32>
      %select_n3A = arith.select %eq3A_41, %get3A_1, %broadcast_in_dim3A_42 : vector<8x8192xi1>, vector<8x8192xf32>
      %reduce_sum3A = arith.constant dense<0.000000e+00> : vector<8xf32>
      %reduce_sum3A_43 = vector.multi_reduction <add>, %select_n3A, %reduce_sum3A [1] : vector<8x8192xf32> to vector<8xf32>
      %broadcast_in_dim3A_44 = vector.shape_cast %reduce_sum3A_43 : vector<8xf32> to vector<8x1xf32>
      %jit3A_45 = arith.constant 0.000000e+00 : f32
      %broadcast_in_dim3A_46 = vector.broadcast %jit3A_45 : f32 to vector<8x8192xf32>
      %select_n3A_47 = arith.select %eq3A_41, %get3A_4, %broadcast_in_dim3A_46 : vector<8x8192xi1>, vector<8x8192xf32>
      %reduce_sum3A_48 = arith.constant dense<0.000000e+00> : vector<8xf32>
      %reduce_sum3A_49 = vector.multi_reduction <add>, %select_n3A_47, %reduce_sum3A_48 [1] : vector<8x8192xf32> to vector<8xf32>
      %broadcast_in_dim3A_50 = vector.shape_cast %reduce_sum3A_49 : vector<8xf32> to vector<8x1xf32>
      %jit3A_51 = arith.constant 0.000000e+00 : f32
      %broadcast_in_dim3A_52 = vector.broadcast %jit3A_51 : f32 to vector<8x8192xf32>
      %select_n3A_53 = arith.select %eq3A_41, %get3A_7, %broadcast_in_dim3A_52 : vector<8x8192xi1>, vector<8x8192xf32>
      %reduce_sum3A_54 = arith.constant dense<0.000000e+00> : vector<8xf32>
      %reduce_sum3A_55 = vector.multi_reduction <add>, %select_n3A_53, %reduce_sum3A_54 [1] : vector<8x8192xf32> to vector<8xf32>
      %broadcast_in_dim3A_56 = vector.shape_cast %reduce_sum3A_55 : vector<8xf32> to vector<8x1xf32>
      %eq3A_57 = vector.broadcast %scan3A_38 : i32 to vector<8x512xi32>
      %eq3A_58 = arith.cmpi eq, %iota3A_8, %eq3A_57 : vector<8x512xi32>
      %convert_element_type3A = arith.extui %eq3A_58 : vector<8x512xi1> to vector<8x512xi32>
      %convert_element_type3A_59 = arith.sitofp %convert_element_type3A : vector<8x512xi32> to vector<8x512xf32>
      %get3A_60 = arith.constant 0 : index
      %get3A_61 = arith.constant 0 : index
      %get3A_62 = vector.load %arg3[%get3A_60, %get3A_61] : memref<8x512xi32, #tpu.memory_space<vmem>>, vector<8x512xi32>
      %mul3A_63 = vector.broadcast %scan3A_40 : vector<8x1xi32> to vector<8x512xi32>
      %mul3A_64 = arith.muli %mul3A_63, %convert_element_type3A : vector<8x512xi32>
      %add3A = arith.addi %get3A_62, %mul3A_64 : vector<8x512xi32>
      %swap3A_65 = arith.constant 0 : index
      %swap3A_66 = arith.constant 0 : index
      %swap3A_67 = vector.load %arg3[%swap3A_65, %swap3A_66] : memref<8x512xi32, #tpu.memory_space<vmem>>, vector<8x512xi32>
      tpu.vector_store %arg3[%swap3A_65, %swap3A_66], %add3A {strides = array<i32>} : memref<8x512xi32, #tpu.memory_space<vmem>>, vector<8x512xi32>,
      %get3A_68 = arith.constant 0 : index
      %get3A_69 = arith.constant 0 : index
      %get3A_70 = vector.load %arg4[%get3A_68, %get3A_69] : memref<8x512xf32, #tpu.memory_space<vmem>>, vector<8x512xf32>
      %mul3A_71 = vector.broadcast %broadcast_in_dim3A_44 : vector<8x1xf32> to vector<8x512xf32>
      %mul3A_72 = arith.mulf %mul3A_71, %convert_element_type3A_59 : vector<8x512xf32>
      %add3A_73 = arith.addf %get3A_70, %mul3A_72 : vector<8x512xf32>
      %swap3A_74 = arith.constant 0 : index
      %swap3A_75 = arith.constant 0 : index
      %swap3A_76 = vector.load %arg4[%swap3A_74, %swap3A_75] : memref<8x512xf32, #tpu.memory_space<vmem>>, vector<8x512xf32>
      tpu.vector_store %arg4[%swap3A_74, %swap3A_75], %add3A_73 {strides = array<i32>} : memref<8x512xf32, #tpu.memory_space<vmem>>, vector<8x512xf32>,
      %get3A_77 = arith.constant 0 : index
      %get3A_78 = arith.constant 0 : index
      %get3A_79 = vector.load %arg5[%get3A_77, %get3A_78] : memref<8x512xf32, #tpu.memory_space<vmem>>, vector<8x512xf32>
      %mul3A_80 = vector.broadcast %broadcast_in_dim3A_50 : vector<8x1xf32> to vector<8x512xf32>
      %mul3A_81 = arith.mulf %mul3A_80, %convert_element_type3A_59 : vector<8x512xf32>
      %add3A_82 = arith.addf %get3A_79, %mul3A_81 : vector<8x512xf32>
      %swap3A_83 = arith.constant 0 : index
      %swap3A_84 = arith.constant 0 : index
      %swap3A_85 = vector.load %arg5[%swap3A_83, %swap3A_84] : memref<8x512xf32, #tpu.memory_space<vmem>>, vector<8x512xf32>
      tpu.vector_store %arg5[%swap3A_83, %swap3A_84], %add3A_82 {strides = array<i32>} : memref<8x512xf32, #tpu.memory_space<vmem>>, vector<8x512xf32>,
      %get3A_86 = arith.constant 0 : index
      %get3A_87 = arith.constant 0 : index
      %get3A_88 = vector.load %arg6[%get3A_86, %get3A_87] : memref<8x512xf32, #tpu.memory_space<vmem>>, vector<8x512xf32>
      %mul3A_89 = vector.broadcast %broadcast_in_dim3A_56 : vector<8x1xf32> to vector<8x512xf32>
      %mul3A_90 = arith.mulf %mul3A_89, %convert_element_type3A_59 : vector<8x512xf32>
      %add3A_91 = arith.addf %get3A_88, %mul3A_90 : vector<8x512xf32>
      %swap3A_92 = arith.constant 0 : index
      %swap3A_93 = arith.constant 0 : index
      %swap3A_94 = vector.load %arg6[%swap3A_92, %swap3A_93] : memref<8x512xf32, #tpu.memory_space<vmem>>, vector<8x512xf32>
      tpu.vector_store %arg6[%swap3A_92, %swap3A_93], %add3A_91 {strides = array<i32>} : memref<8x512xf32, #tpu.memory_space<vmem>>, vector<8x512xf32>,
      %sub3A = vector.broadcast %broadcast_in_dim3A_44 : vector<8x1xf32> to vector<8x8192xf32>
      %sub3A_95 = arith.subf %get3A_1, %sub3A : vector<8x8192xf32>
      %sub3A_96 = vector.broadcast %broadcast_in_dim3A_50 : vector<8x1xf32> to vector<8x8192xf32>
      %sub3A_97 = arith.subf %get3A_4, %sub3A_96 : vector<8x8192xf32>
      %sub3A_98 = vector.broadcast %broadcast_in_dim3A_56 : vector<8x1xf32> to vector<8x8192xf32>
      %sub3A_99 = arith.subf %get3A_7, %sub3A_98 : vector<8x8192xf32>
      %mul3A_100 = arith.mulf %sub3A_95, %sub3A_95 : vector<8x8192xf32>
      %mul3A_101 = arith.mulf %sub3A_97, %sub3A_97 : vector<8x8192xf32>
      %add3A_102 = arith.addf %mul3A_100, %mul3A_101 : vector<8x8192xf32>
      %mul3A_103 = arith.mulf %sub3A_99, %sub3A_99 : vector<8x8192xf32>
      %add3A_104 = arith.addf %add3A_102, %mul3A_103 : vector<8x8192xf32>
      %min3A = arith.minimumf %scan3A_39, %add3A_104 : vector<8x8192xf32>
      %reduce_max3A = arith.constant dense<0xFF800000> : vector<8xf32>
      %reduce_max3A_105 = vector.multi_reduction <maximumf>, %min3A, %reduce_max3A [1] : vector<8x8192xf32> to vector<8xf32>
      %broadcast_in_dim3A_106 = vector.shape_cast %reduce_max3A_105 : vector<8xf32> to vector<8x1xf32>
      %eq3A_107 = vector.broadcast %broadcast_in_dim3A_106 : vector<8x1xf32> to vector<8x8192xf32>
      %eq3A_108 = arith.cmpf oeq, %min3A, %eq3A_107 : vector<8x8192xf32>
      %jit3A_109 = arith.constant 8192 : i32
      %broadcast_in_dim3A_110 = vector.broadcast %jit3A_109 : i32 to vector<8x8192xi32>
      %select_n3A_111 = arith.select %eq3A_108, %iota3A, %broadcast_in_dim3A_110 : vector<8x8192xi1>, vector<8x8192xi32>
      %reduce_min3A_112 = arith.constant dense<2147483647> : vector<8xi32>
      %reduce_min3A_113 = vector.multi_reduction <minsi>, %select_n3A_111, %reduce_min3A_112 [1] : vector<8x8192xi32> to vector<8xi32>
      %broadcast_in_dim3A_114 = vector.shape_cast %reduce_min3A_113 : vector<8xi32> to vector<8x1xi32>
      scf.yield %min3A, %broadcast_in_dim3A_114 : vector<8x8192xf32>, vector<8x1xi32>
    }
    %scan3A_37 = arith.constant 512 : i32
    return
  }
}

module attributes {stable_mosaic.version = 14 : i64} {
  func.func @_select_body(%arg0: i32, %arg1: i32, %arg2: memref<1x1x8192xf32, #tpu.memory_space<vmem>>, %arg3: memref<1x1x8192xf32, #tpu.memory_space<vmem>>, %arg4: memref<1x1x8192xf32, #tpu.memory_space<vmem>>, %arg5: memref<1x512x1xf32, #tpu.memory_space<vmem>>, %arg6: memref<1x512x1xf32, #tpu.memory_space<vmem>>, %arg7: memref<1x512x1xf32, #tpu.memory_space<vmem>>, %arg8: memref<1x512x32xi32, #tpu.memory_space<vmem>>, %arg9: memref<512x8192xf32, #tpu.memory_space<vmem>>) attributes {dimension_semantics = [#tpu.dimension_semantics<parallel>, #tpu.dimension_semantics<parallel>], iteration_bounds = array<i64: 8, 1>, scalar_prefetch = 0 : i64, scratch_operands = 1 : i64, tpu.core_type = #tpu.core_type<tc>, window_params = [{transform_indices = @transform_0, window_bounds = array<i64: 1, 1, 8192>}, {transform_indices = @transform_1, window_bounds = array<i64: 1, 1, 8192>}, {transform_indices = @transform_2, window_bounds = array<i64: 1, 1, 8192>}, {transform_indices = @transform_3, window_bounds = array<i64: 1, 512, 1>}, {transform_indices = @transform_4, window_bounds = array<i64: 1, 512, 1>}, {transform_indices = @transform_5, window_bounds = array<i64: 1, 512, 1>}, {transform_indices = @transform_6, window_bounds = array<i64: 1, 512, 32>}]} {
    %get3A = arith.constant 0 : index
    %get3A_0 = arith.constant 0 : index
    %get3A_1 = arith.constant 0 : index
    %get3A_2 = vector.load %arg2[%get3A, %get3A_0, %get3A_1] : memref<1x1x8192xf32, #tpu.memory_space<vmem>>, vector<1x1x8192xf32>
    %get3A_3 = vector.shape_cast %get3A_2 : vector<1x1x8192xf32> to vector<1x8192xf32>
    %get3A_4 = arith.constant 0 : index
    %get3A_5 = arith.constant 0 : index
    %get3A_6 = arith.constant 0 : index
    %get3A_7 = vector.load %arg3[%get3A_4, %get3A_5, %get3A_6] : memref<1x1x8192xf32, #tpu.memory_space<vmem>>, vector<1x1x8192xf32>
    %get3A_8 = vector.shape_cast %get3A_7 : vector<1x1x8192xf32> to vector<1x8192xf32>
    %get3A_9 = arith.constant 0 : index
    %get3A_10 = arith.constant 0 : index
    %get3A_11 = arith.constant 0 : index
    %get3A_12 = vector.load %arg4[%get3A_9, %get3A_10, %get3A_11] : memref<1x1x8192xf32, #tpu.memory_space<vmem>>, vector<1x1x8192xf32>
    %get3A_13 = vector.shape_cast %get3A_12 : vector<1x1x8192xf32> to vector<1x8192xf32>
    %get3A_14 = arith.constant 0 : index
    %get3A_15 = arith.constant 0 : index
    %get3A_16 = arith.constant 0 : index
    %get3A_17 = vector.load %arg5[%get3A_14, %get3A_15, %get3A_16] : memref<1x512x1xf32, #tpu.memory_space<vmem>>, vector<1x512x1xf32>
    %get3A_18 = vector.shape_cast %get3A_17 : vector<1x512x1xf32> to vector<512x1xf32>
    %get3A_19 = arith.constant 0 : index
    %get3A_20 = arith.constant 0 : index
    %get3A_21 = arith.constant 0 : index
    %get3A_22 = vector.load %arg6[%get3A_19, %get3A_20, %get3A_21] : memref<1x512x1xf32, #tpu.memory_space<vmem>>, vector<1x512x1xf32>
    %get3A_23 = vector.shape_cast %get3A_22 : vector<1x512x1xf32> to vector<512x1xf32>
    %get3A_24 = arith.constant 0 : index
    %get3A_25 = arith.constant 0 : index
    %get3A_26 = arith.constant 0 : index
    %get3A_27 = vector.load %arg7[%get3A_24, %get3A_25, %get3A_26] : memref<1x512x1xf32, #tpu.memory_space<vmem>>, vector<1x512x1xf32>
    %get3A_28 = vector.shape_cast %get3A_27 : vector<1x512x1xf32> to vector<512x1xf32>
    %mul3A = arith.mulf %get3A_3, %get3A_3 : vector<1x8192xf32>
    %mul3A_29 = arith.mulf %get3A_8, %get3A_8 : vector<1x8192xf32>
    %add3A = arith.addf %mul3A, %mul3A_29 : vector<1x8192xf32>
    %mul3A_30 = arith.mulf %get3A_13, %get3A_13 : vector<1x8192xf32>
    %add3A_31 = arith.addf %add3A, %mul3A_30 : vector<1x8192xf32>
    %mul3A_32 = arith.mulf %get3A_18, %get3A_18 : vector<512x1xf32>
    %mul3A_33 = arith.mulf %get3A_23, %get3A_23 : vector<512x1xf32>
    %add3A_34 = arith.addf %mul3A_32, %mul3A_33 : vector<512x1xf32>
    %mul3A_35 = arith.mulf %get3A_28, %get3A_28 : vector<512x1xf32>
    %add3A_36 = arith.addf %add3A_34, %mul3A_35 : vector<512x1xf32>
    %concatenate3A = tpu.concatenate %get3A_18, %get3A_23, %get3A_28 in 1 : vector<512x1xf32>, vector<512x1xf32>, vector<512x1xf32> -> vector<512x3xf32>
    %concatenate3A_37 = tpu.concatenate %get3A_3, %get3A_8, %get3A_13 in 0 : vector<1x8192xf32>, vector<1x8192xf32>, vector<1x8192xf32> -> vector<3x8192xf32>
    %dot_general3A = arith.constant dense<0.000000e+00> : vector<512x8192xf32>
    %dot_general3A_38 = tpu.matmul %concatenate3A, %concatenate3A_37, %dot_general3A {dimension_numbers = #tpu.dot_dimension_numbers<[1], [0], [0], [1], [0, 0, 1, 1], [], []>, transpose_lhs_hint = false} : vector<512x3xf32>, vector<3x8192xf32>, vector<512x8192xf32> -> vector<512x8192xf32>
    %mul3A_39 = arith.constant 2.000000e+00 : f32
    %mul3A_40 = vector.broadcast %mul3A_39 : f32 to vector<512x8192xf32>
    %mul3A_41 = arith.mulf %mul3A_40, %dot_general3A_38 : vector<512x8192xf32>
    %sub3A = vector.broadcast %add3A_36 : vector<512x1xf32> to vector<512x8192xf32>
    %sub3A_42 = arith.subf %sub3A, %mul3A_41 : vector<512x8192xf32>
    %add3A_43 = vector.broadcast %add3A_31 : vector<1x8192xf32> to vector<512x8192xf32>
    %add3A_44 = arith.addf %sub3A_42, %add3A_43 : vector<512x8192xf32>
    %swap3A = arith.constant 0 : index
    %swap3A_45 = arith.constant 0 : index
    %swap3A_46 = vector.load %arg9[%swap3A, %swap3A_45] : memref<512x8192xf32, #tpu.memory_space<vmem>>, vector<512x8192xf32>
    tpu.vector_store %arg9[%swap3A, %swap3A_45], %add3A_44 {strides = array<i32>} : memref<512x8192xf32, #tpu.memory_space<vmem>>, vector<512x8192xf32>,
    %iota3A = tpu.iota {dimensions = array<i32: 1>} : vector<512x8192xi32>
    %iota3A_47 = tpu.iota {dimensions = array<i32: 1>} : vector<512x32xi32>
    %mul3A_48 = arith.constant 8192 : i32
    %mul3A_49 = arith.muli %arg0, %mul3A_48 : i32
    %broadcast_in_dim3A = arith.constant 0 : i32
    %broadcast_in_dim3A_50 = vector.broadcast %broadcast_in_dim3A : i32 to vector<1x512x32xi32>
    %swap3A_51 = arith.constant 0 : index
    %swap3A_52 = arith.constant 0 : index
    %swap3A_53 = arith.constant 0 : index
    %swap3A_54 = vector.load %arg8[%swap3A_51, %swap3A_52, %swap3A_53] : memref<1x512x32xi32, #tpu.memory_space<vmem>>, vector<1x512x32xi32>
    tpu.vector_store %arg8[%swap3A_51, %swap3A_52, %swap3A_53], %broadcast_in_dim3A_50 {strides = array<i32>} : memref<1x512x32xi32, #tpu.memory_space<vmem>>, vector<1x512x32xi32>,
    %scan3A = arith.constant 0 : i32
    %scan3A_55 = arith.constant 32 : i32
    %scan3A_56 = arith.addi %scan3A, %scan3A_55 : i32
    %scan3A_57 = arith.constant 1 : i32
    scf.for %scan3A_59 = %scan3A to %scan3A_56 step %scan3A_57  : i32 {
      %get3A_60 = arith.constant 0 : index
      %get3A_61 = arith.constant 0 : index
      %get3A_62 = vector.load %arg9[%get3A_60, %get3A_61] : memref<512x8192xf32, #tpu.memory_space<vmem>>, vector<512x8192xf32>
      %reduce_min3A = arith.constant dense<0x7F800000> : vector<512xf32>
      %reduce_min3A_63 = vector.multi_reduction <minimumf>, %get3A_62, %reduce_min3A [1] : vector<512x8192xf32> to vector<512xf32>
      %broadcast_in_dim3A_64 = vector.shape_cast %reduce_min3A_63 : vector<512xf32> to vector<512x1xf32>
      %eq3A = vector.broadcast %broadcast_in_dim3A_64 : vector<512x1xf32> to vector<512x8192xf32>
      %eq3A_65 = arith.cmpf oeq, %get3A_62, %eq3A : vector<512x8192xf32>
      %jit3A = arith.constant 8192 : i32
      %broadcast_in_dim3A_66 = vector.broadcast %jit3A : i32 to vector<512x8192xi32>
      %select_n3A = arith.select %eq3A_65, %iota3A, %broadcast_in_dim3A_66 : vector<512x8192xi1>, vector<512x8192xi32>
      %reduce_min3A_67 = arith.constant dense<2147483647> : vector<512xi32>
      %reduce_min3A_68 = vector.multi_reduction <minsi>, %select_n3A, %reduce_min3A_67 [1] : vector<512x8192xi32> to vector<512xi32>
      %broadcast_in_dim3A_69 = vector.shape_cast %reduce_min3A_68 : vector<512xi32> to vector<512x1xi32>
      %eq3A_70 = vector.broadcast %scan3A_59 : i32 to vector<512x32xi32>
      %eq3A_71 = arith.cmpi eq, %iota3A_47, %eq3A_70 : vector<512x32xi32>
      %convert_element_type3A = arith.extui %eq3A_71 : vector<512x32xi1> to vector<512x32xi32>
      %get3A_72 = arith.constant 0 : index
      %get3A_73 = arith.constant 0 : index
      %get3A_74 = arith.constant 0 : index
      %get3A_75 = vector.load %arg8[%get3A_72, %get3A_73, %get3A_74] : memref<1x512x32xi32, #tpu.memory_space<vmem>>, vector<1x512x32xi32>
      %add3A_76 = vector.broadcast %mul3A_49 : i32 to vector<512x1xi32>
      %add3A_77 = arith.addi %broadcast_in_dim3A_69, %add3A_76 : vector<512x1xi32>
      %mul3A_78 = vector.broadcast %add3A_77 : vector<512x1xi32> to vector<512x32xi32>
      %mul3A_79 = arith.muli %mul3A_78, %convert_element_type3A : vector<512x32xi32>
      %broadcast_in_dim3A_80 = vector.shape_cast %mul3A_79 : vector<512x32xi32> to vector<1x512x32xi32>
      %add3A_81 = arith.addi %get3A_75, %broadcast_in_dim3A_80 : vector<1x512x32xi32>
      %swap3A_82 = arith.constant 0 : index
      %swap3A_83 = arith.constant 0 : index
      %swap3A_84 = arith.constant 0 : index
      %swap3A_85 = vector.load %arg8[%swap3A_82, %swap3A_83, %swap3A_84] : memref<1x512x32xi32, #tpu.memory_space<vmem>>, vector<1x512x32xi32>
      tpu.vector_store %arg8[%swap3A_82, %swap3A_83, %swap3A_84], %add3A_81 {strides = array<i32>} : memref<1x512x32xi32, #tpu.memory_space<vmem>>, vector<1x512x32xi32>,
      %eq3A_86 = vector.broadcast %broadcast_in_dim3A_69 : vector<512x1xi32> to vector<512x8192xi32>
      %eq3A_87 = arith.cmpi eq, %iota3A, %eq3A_86 : vector<512x8192xi32>
      %jit3A_88 = arith.constant 1.000000e+30 : f32
      %broadcast_in_dim3A_89 = vector.broadcast %jit3A_88 : f32 to vector<512x8192xf32>
      %select_n3A_90 = arith.select %eq3A_87, %broadcast_in_dim3A_89, %get3A_62 : vector<512x8192xi1>, vector<512x8192xf32>
      %swap3A_91 = arith.constant 0 : index
      %swap3A_92 = arith.constant 0 : index
      %swap3A_93 = vector.load %arg9[%swap3A_91, %swap3A_92] : memref<512x8192xf32, #tpu.memory_space<vmem>>, vector<512x8192xf32>
      tpu.vector_store %arg9[%swap3A_91, %swap3A_92], %select_n3A_90 {strides = array<i32>} : memref<512x8192xf32, #tpu.memory_space<vmem>>, vector<512x8192xf32>,
    }
    %scan3A_58 = arith.constant 32 : i32
    return
  }
  func.func @transform_0(%arg0: i32, %arg1: i32) -> (i32, i32, i32) {
    %c0_i32 = arith.constant 0 : i32
    %c0_i32_0 = arith.constant 0 : i32
    %c0_i32_1 = arith.constant 0 : i32
    return %arg0, %c0_i32, %c0_i32_0 : i32, i32, i32
  }
  func.func @transform_1(%arg0: i32, %arg1: i32) -> (i32, i32, i32) {
    %c0_i32 = arith.constant 0 : i32
    %c0_i32_0 = arith.constant 0 : i32
    %c0_i32_1 = arith.constant 0 : i32
    return %arg0, %c0_i32, %c0_i32_0 : i32, i32, i32
  }
  func.func @transform_2(%arg0: i32, %arg1: i32) -> (i32, i32, i32) {
    %c0_i32 = arith.constant 0 : i32
    %c0_i32_0 = arith.constant 0 : i32
    %c0_i32_1 = arith.constant 0 : i32
    return %arg0, %c0_i32, %c0_i32_0 : i32, i32, i32
  }
  func.func @transform_3(%arg0: i32, %arg1: i32) -> (i32, i32, i32) {
    %c0_i32 = arith.constant 0 : i32
    %c0_i32_0 = arith.constant 0 : i32
    return %arg0, %arg1, %c0_i32 : i32, i32, i32
  }
  func.func @transform_4(%arg0: i32, %arg1: i32) -> (i32, i32, i32) {
    %c0_i32 = arith.constant 0 : i32
    %c0_i32_0 = arith.constant 0 : i32
    return %arg0, %arg1, %c0_i32 : i32, i32, i32
  }
  func.func @transform_5(%arg0: i32, %arg1: i32) -> (i32, i32, i32) {
    %c0_i32 = arith.constant 0 : i32
    %c0_i32_0 = arith.constant 0 : i32
    return %arg0, %arg1, %c0_i32 : i32, i32, i32
  }
  func.func @transform_6(%arg0: i32, %arg1: i32) -> (i32, i32, i32) {
    %c0_i32 = arith.constant 0 : i32
    %c0_i32_0 = arith.constant 0 : i32
    return %arg0, %arg1, %c0_i32 : i32, i32, i32
  }
}

module attributes {stable_mosaic.version = 14 : i64} {
  func.func @_mlp_a_body(%arg0: i32, %arg1: memref<8192x16xf32, #tpu.memory_space<vmem>>, %arg2: memref<8192x16xf32, #tpu.memory_space<vmem>>, %arg3: memref<16x64xf32, #tpu.memory_space<vmem>>, %arg4: memref<1x64xf32, #tpu.memory_space<vmem>>, %arg5: memref<8192x64xf32, #tpu.memory_space<vmem>>, %arg6: memref<1x64xf32, #tpu.memory_space<vmem>>, %arg7: memref<1x64xf32, #tpu.memory_space<vmem>>) attributes {dimension_semantics = [#tpu.dimension_semantics<arbitrary>], iteration_bounds = array<i64: 16>, scalar_prefetch = 0 : i64, scratch_operands = 0 : i64, tpu.core_type = #tpu.core_type<tc>, window_params = [{transform_indices = @transform_0, window_bounds = array<i64: 8192, 16>}, {transform_indices = @transform_1, window_bounds = array<i64: 8192, 16>}, {pipeline_mode = #tpu.pipeline_mode<synchronous>, transform_indices = @transform_2, window_bounds = array<i64: 16, 64>}, {pipeline_mode = #tpu.pipeline_mode<synchronous>, transform_indices = @transform_3, window_bounds = array<i64: 1, 64>}, {transform_indices = @transform_4, window_bounds = array<i64: 8192, 64>}, {pipeline_mode = #tpu.pipeline_mode<synchronous>, transform_indices = @transform_5, window_bounds = array<i64: 1, 64>}, {pipeline_mode = #tpu.pipeline_mode<synchronous>, transform_indices = @transform_6, window_bounds = array<i64: 1, 64>}]} {
    %eq3A = arith.constant 0 : i32
    %eq3A_0 = arith.cmpi eq, %arg0, %eq3A : i32
    %convert_element_type3A = arith.extui %eq3A_0 : i1 to i32
    %cond3A = arith.constant 0 : i32
    %cond3A_1 = arith.cmpi ne, %convert_element_type3A, %cond3A : i32
    scf.if %cond3A_1 {
      %broadcast_in_dim3A_35 = arith.constant 0.000000e+00 : f32
      %broadcast_in_dim3A_36 = vector.broadcast %broadcast_in_dim3A_35 : f32 to vector<1x64xf32>
      %swap3A_37 = arith.constant 0 : index
      %swap3A_38 = arith.constant 0 : index
      %swap3A_39 = vector.load %arg6[%swap3A_37, %swap3A_38] : memref<1x64xf32, #tpu.memory_space<vmem>>, vector<1x64xf32>
      tpu.vector_store %arg6[%swap3A_37, %swap3A_38], %broadcast_in_dim3A_36 {strides = array<i32>} : memref<1x64xf32, #tpu.memory_space<vmem>>, vector<1x64xf32>,
      %broadcast_in_dim3A_40 = arith.constant 0.000000e+00 : f32
      %broadcast_in_dim3A_41 = vector.broadcast %broadcast_in_dim3A_40 : f32 to vector<1x64xf32>
      %swap3A_42 = arith.constant 0 : index
      %swap3A_43 = arith.constant 0 : index
      %swap3A_44 = vector.load %arg7[%swap3A_42, %swap3A_43] : memref<1x64xf32, #tpu.memory_space<vmem>>, vector<1x64xf32>
      tpu.vector_store %arg7[%swap3A_42, %swap3A_43], %broadcast_in_dim3A_41 {strides = array<i32>} : memref<1x64xf32, #tpu.memory_space<vmem>>, vector<1x64xf32>,
    } else {
    }
    %get3A = arith.constant 0 : index
    %get3A_2 = arith.constant 0 : index
    %get3A_3 = vector.load %arg1[%get3A, %get3A_2] : memref<8192x16xf32, #tpu.memory_space<vmem>>, vector<8192x16xf32>
    %get3A_4 = arith.constant 0 : index
    %get3A_5 = arith.constant 0 : index
    %get3A_6 = vector.load %arg2[%get3A_4, %get3A_5] : memref<8192x16xf32, #tpu.memory_space<vmem>>, vector<8192x16xf32>
    %sub3A = arith.subf %get3A_3, %get3A_6 : vector<8192x16xf32>
    %get3A_7 = arith.constant 0 : index
    %get3A_8 = arith.constant 0 : index
    %get3A_9 = vector.load %arg3[%get3A_7, %get3A_8] : memref<16x64xf32, #tpu.memory_space<vmem>>, vector<16x64xf32>
    %dot_general3A = arith.constant dense<0.000000e+00> : vector<8192x64xf32>
    %dot_general3A_10 = tpu.matmul %sub3A, %get3A_9, %dot_general3A {dimension_numbers = #tpu.dot_dimension_numbers<[1], [0], [0], [1], [0, 0, 1, 1], [], []>, transpose_lhs_hint = false} : vector<8192x16xf32>, vector<16x64xf32>, vector<8192x64xf32> -> vector<8192x64xf32>
    %get3A_11 = arith.constant 0 : index
    %get3A_12 = arith.constant 0 : index
    %get3A_13 = vector.load %arg4[%get3A_11, %get3A_12] : memref<1x64xf32, #tpu.memory_space<vmem>>, vector<1x64xf32>
    %add3A = vector.broadcast %get3A_13 : vector<1x64xf32> to vector<8192x64xf32>
    %add3A_14 = arith.addf %dot_general3A_10, %add3A : vector<8192x64xf32>
    %swap3A = arith.constant 0 : index
    %swap3A_15 = arith.constant 0 : index
    %swap3A_16 = vector.load %arg5[%swap3A, %swap3A_15] : memref<8192x64xf32, #tpu.memory_space<vmem>>, vector<8192x64xf32>
    tpu.vector_store %arg5[%swap3A, %swap3A_15], %add3A_14 {strides = array<i32>} : memref<8192x64xf32, #tpu.memory_space<vmem>>, vector<8192x64xf32>,
    %get3A_17 = arith.constant 0 : index
    %get3A_18 = arith.constant 0 : index
    %get3A_19 = vector.load %arg6[%get3A_17, %get3A_18] : memref<1x64xf32, #tpu.memory_space<vmem>>, vector<1x64xf32>
    %reduce_sum3A = arith.constant dense<0.000000e+00> : vector<64xf32>
    %reduce_sum3A_20 = vector.multi_reduction <add>, %add3A_14, %reduce_sum3A [0] : vector<8192x64xf32> to vector<64xf32>
    %broadcast_in_dim3A = vector.shape_cast %reduce_sum3A_20 : vector<64xf32> to vector<1x64xf32>
    %add3A_21 = arith.addf %get3A_19, %broadcast_in_dim3A : vector<1x64xf32>
    %swap3A_22 = arith.constant 0 : index
    %swap3A_23 = arith.constant 0 : index
    %swap3A_24 = vector.load %arg6[%swap3A_22, %swap3A_23] : memref<1x64xf32, #tpu.memory_space<vmem>>, vector<1x64xf32>
    tpu.vector_store %arg6[%swap3A_22, %swap3A_23], %add3A_21 {strides = array<i32>} : memref<1x64xf32, #tpu.memory_space<vmem>>, vector<1x64xf32>,
    %get3A_25 = arith.constant 0 : index
    %get3A_26 = arith.constant 0 : index
    %get3A_27 = vector.load %arg7[%get3A_25, %get3A_26] : memref<1x64xf32, #tpu.memory_space<vmem>>, vector<1x64xf32>
    %mul3A = arith.mulf %add3A_14, %add3A_14 : vector<8192x64xf32>
    %reduce_sum3A_28 = arith.constant dense<0.000000e+00> : vector<64xf32>
    %reduce_sum3A_29 = vector.multi_reduction <add>, %mul3A, %reduce_sum3A_28 [0] : vector<8192x64xf32> to vector<64xf32>
    %broadcast_in_dim3A_30 = vector.shape_cast %reduce_sum3A_29 : vector<64xf32> to vector<1x64xf32>
    %add3A_31 = arith.addf %get3A_27, %broadcast_in_dim3A_30 : vector<1x64xf32>
    %swap3A_32 = arith.constant 0 : index
    %swap3A_33 = arith.constant 0 : index
    %swap3A_34 = vector.load %arg7[%swap3A_32, %swap3A_33] : memref<1x64xf32, #tpu.memory_space<vmem>>, vector<1x64xf32>
    tpu.vector_store %arg7[%swap3A_32, %swap3A_33], %add3A_31 {strides = array<i32>} : memref<1x64xf32, #tpu.memory_space<vmem>>, vector<1x64xf32>,
    return
  }
  func.func @transform_0(%arg0: i32) -> (i32, i32) {
    %c0_i32 = arith.constant 0 : i32
    %c0_i32_0 = arith.constant 0 : i32
    return %arg0, %c0_i32 : i32, i32
  }
  func.func @transform_1(%arg0: i32) -> (i32, i32) {
    %c0_i32 = arith.constant 0 : i32
    %c0_i32_0 = arith.constant 0 : i32
    return %arg0, %c0_i32 : i32, i32
  }
  func.func @transform_2(%arg0: i32) -> (i32, i32) {
    %c0_i32 = arith.constant 0 : i32
    %c0_i32_0 = arith.constant 0 : i32
    %c0_i32_1 = arith.constant 0 : i32
    return %c0_i32, %c0_i32_0 : i32, i32
  }
  func.func @transform_3(%arg0: i32) -> (i32, i32) {
    %c0_i32 = arith.constant 0 : i32
    %c0_i32_0 = arith.constant 0 : i32
    %c0_i32_1 = arith.constant 0 : i32
    return %c0_i32, %c0_i32_0 : i32, i32
  }
  func.func @transform_4(%arg0: i32) -> (i32, i32) {
    %c0_i32 = arith.constant 0 : i32
    %c0_i32_0 = arith.constant 0 : i32
    return %arg0, %c0_i32 : i32, i32
  }
  func.func @transform_5(%arg0: i32) -> (i32, i32) {
    %c0_i32 = arith.constant 0 : i32
    %c0_i32_0 = arith.constant 0 : i32
    %c0_i32_1 = arith.constant 0 : i32
    return %c0_i32, %c0_i32_0 : i32, i32
  }
  func.func @transform_6(%arg0: i32) -> (i32, i32) {
    %c0_i32 = arith.constant 0 : i32
    %c0_i32_0 = arith.constant 0 : i32
    %c0_i32_1 = arith.constant 0 : i32
    return %c0_i32, %c0_i32_0 : i32, i32
  }
}

module attributes {stable_mosaic.version = 14 : i64} {
  func.func @_mlp_mid_body(%arg0: i32, %arg1: memref<8192x64xf32, #tpu.memory_space<vmem>>, %arg2: memref<1x64xf32, #tpu.memory_space<vmem>>, %arg3: memref<1x64xf32, #tpu.memory_space<vmem>>, %arg4: memref<64x128xf32, #tpu.memory_space<vmem>>, %arg5: memref<1x128xf32, #tpu.memory_space<vmem>>, %arg6: memref<8192x128xf32, #tpu.memory_space<vmem>>, %arg7: memref<1x128xf32, #tpu.memory_space<vmem>>, %arg8: memref<1x128xf32, #tpu.memory_space<vmem>>) attributes {dimension_semantics = [#tpu.dimension_semantics<arbitrary>], iteration_bounds = array<i64: 16>, scalar_prefetch = 0 : i64, scratch_operands = 0 : i64, tpu.core_type = #tpu.core_type<tc>, window_params = [{transform_indices = @transform_0, window_bounds = array<i64: 8192, 64>}, {pipeline_mode = #tpu.pipeline_mode<synchronous>, transform_indices = @transform_1, window_bounds = array<i64: 1, 64>}, {pipeline_mode = #tpu.pipeline_mode<synchronous>, transform_indices = @transform_2, window_bounds = array<i64: 1, 64>}, {pipeline_mode = #tpu.pipeline_mode<synchronous>, transform_indices = @transform_3, window_bounds = array<i64: 64, 128>}, {pipeline_mode = #tpu.pipeline_mode<synchronous>, transform_indices = @transform_4, window_bounds = array<i64: 1, 128>}, {transform_indices = @transform_5, window_bounds = array<i64: 8192, 128>}, {pipeline_mode = #tpu.pipeline_mode<synchronous>, transform_indices = @transform_6, window_bounds = array<i64: 1, 128>}, {pipeline_mode = #tpu.pipeline_mode<synchronous>, transform_indices = @transform_7, window_bounds = array<i64: 1, 128>}]} {
    %eq3A = arith.constant 0 : i32
    %eq3A_0 = arith.cmpi eq, %arg0, %eq3A : i32
    %convert_element_type3A = arith.extui %eq3A_0 : i1 to i32
    %cond3A = arith.constant 0 : i32
    %cond3A_1 = arith.cmpi ne, %convert_element_type3A, %cond3A : i32
    scf.if %cond3A_1 {
      %broadcast_in_dim3A_44 = arith.constant 0.000000e+00 : f32
      %broadcast_in_dim3A_45 = vector.broadcast %broadcast_in_dim3A_44 : f32 to vector<1x128xf32>
      %swap3A_46 = arith.constant 0 : index
      %swap3A_47 = arith.constant 0 : index
      %swap3A_48 = vector.load %arg7[%swap3A_46, %swap3A_47] : memref<1x128xf32, #tpu.memory_space<vmem>>, vector<1x128xf32>
      tpu.vector_store %arg7[%swap3A_46, %swap3A_47], %broadcast_in_dim3A_45 {strides = array<i32>} : memref<1x128xf32, #tpu.memory_space<vmem>>, vector<1x128xf32>,
      %broadcast_in_dim3A_49 = arith.constant 0.000000e+00 : f32
      %broadcast_in_dim3A_50 = vector.broadcast %broadcast_in_dim3A_49 : f32 to vector<1x128xf32>
      %swap3A_51 = arith.constant 0 : index
      %swap3A_52 = arith.constant 0 : index
      %swap3A_53 = vector.load %arg8[%swap3A_51, %swap3A_52] : memref<1x128xf32, #tpu.memory_space<vmem>>, vector<1x128xf32>
      tpu.vector_store %arg8[%swap3A_51, %swap3A_52], %broadcast_in_dim3A_50 {strides = array<i32>} : memref<1x128xf32, #tpu.memory_space<vmem>>, vector<1x128xf32>,
    } else {
    }
    %get3A = arith.constant 0 : index
    %get3A_2 = arith.constant 0 : index
    %get3A_3 = vector.load %arg1[%get3A, %get3A_2] : memref<8192x64xf32, #tpu.memory_space<vmem>>, vector<8192x64xf32>
    %get3A_4 = arith.constant 0 : index
    %get3A_5 = arith.constant 0 : index
    %get3A_6 = vector.load %arg2[%get3A_4, %get3A_5] : memref<1x64xf32, #tpu.memory_space<vmem>>, vector<1x64xf32>
    %mul3A = vector.broadcast %get3A_6 : vector<1x64xf32> to vector<8192x64xf32>
    %mul3A_7 = arith.mulf %get3A_3, %mul3A : vector<8192x64xf32>
    %get3A_8 = arith.constant 0 : index
    %get3A_9 = arith.constant 0 : index
    %get3A_10 = vector.load %arg3[%get3A_8, %get3A_9] : memref<1x64xf32, #tpu.memory_space<vmem>>, vector<1x64xf32>
    %add3A = vector.broadcast %get3A_10 : vector<1x64xf32> to vector<8192x64xf32>
    %add3A_11 = arith.addf %mul3A_7, %add3A : vector<8192x64xf32>
    %max3A = arith.constant 0.000000e+00 : f32
    %max3A_12 = vector.broadcast %max3A : f32 to vector<8192x64xf32>
    %max3A_13 = arith.maximumf %add3A_11, %max3A_12 : vector<8192x64xf32>
    %get3A_14 = arith.constant 0 : index
    %get3A_15 = arith.constant 0 : index
    %get3A_16 = vector.load %arg4[%get3A_14, %get3A_15] : memref<64x128xf32, #tpu.memory_space<vmem>>, vector<64x128xf32>
    %dot_general3A = arith.constant dense<0.000000e+00> : vector<8192x128xf32>
    %dot_general3A_17 = tpu.matmul %max3A_13, %get3A_16, %dot_general3A {dimension_numbers = #tpu.dot_dimension_numbers<[1], [0], [0], [1], [0, 0, 1, 1], [], []>, transpose_lhs_hint = false} : vector<8192x64xf32>, vector<64x128xf32>, vector<8192x128xf32> -> vector<8192x128xf32>
    %get3A_18 = arith.constant 0 : index
    %get3A_19 = arith.constant 0 : index
    %get3A_20 = vector.load %arg5[%get3A_18, %get3A_19] : memref<1x128xf32, #tpu.memory_space<vmem>>, vector<1x128xf32>
    %add3A_21 = vector.broadcast %get3A_20 : vector<1x128xf32> to vector<8192x128xf32>
    %add3A_22 = arith.addf %dot_general3A_17, %add3A_21 : vector<8192x128xf32>
    %swap3A = arith.constant 0 : index
    %swap3A_23 = arith.constant 0 : index
    %swap3A_24 = vector.load %arg6[%swap3A, %swap3A_23] : memref<8192x128xf32, #tpu.memory_space<vmem>>, vector<8192x128xf32>
    tpu.vector_store %arg6[%swap3A, %swap3A_23], %add3A_22 {strides = array<i32>} : memref<8192x128xf32, #tpu.memory_space<vmem>>, vector<8192x128xf32>,
    %get3A_25 = arith.constant 0 : index
    %get3A_26 = arith.constant 0 : index
    %get3A_27 = vector.load %arg7[%get3A_25, %get3A_26] : memref<1x128xf32, #tpu.memory_space<vmem>>, vector<1x128xf32>
    %reduce_sum3A = arith.constant dense<0.000000e+00> : vector<128xf32>
    %reduce_sum3A_28 = vector.multi_reduction <add>, %add3A_22, %reduce_sum3A [0] : vector<8192x128xf32> to vector<128xf32>
    %broadcast_in_dim3A = vector.shape_cast %reduce_sum3A_28 : vector<128xf32> to vector<1x128xf32>
    %add3A_29 = arith.addf %get3A_27, %broadcast_in_dim3A : vector<1x128xf32>
    %swap3A_30 = arith.constant 0 : index
    %swap3A_31 = arith.constant 0 : index
    %swap3A_32 = vector.load %arg7[%swap3A_30, %swap3A_31] : memref<1x128xf32, #tpu.memory_space<vmem>>, vector<1x128xf32>
    tpu.vector_store %arg7[%swap3A_30, %swap3A_31], %add3A_29 {strides = array<i32>} : memref<1x128xf32, #tpu.memory_space<vmem>>, vector<1x128xf32>,
    %get3A_33 = arith.constant 0 : index
    %get3A_34 = arith.constant 0 : index
    %get3A_35 = vector.load %arg8[%get3A_33, %get3A_34] : memref<1x128xf32, #tpu.memory_space<vmem>>, vector<1x128xf32>
    %mul3A_36 = arith.mulf %add3A_22, %add3A_22 : vector<8192x128xf32>
    %reduce_sum3A_37 = arith.constant dense<0.000000e+00> : vector<128xf32>
    %reduce_sum3A_38 = vector.multi_reduction <add>, %mul3A_36, %reduce_sum3A_37 [0] : vector<8192x128xf32> to vector<128xf32>
    %broadcast_in_dim3A_39 = vector.shape_cast %reduce_sum3A_38 : vector<128xf32> to vector<1x128xf32>
    %add3A_40 = arith.addf %get3A_35, %broadcast_in_dim3A_39 : vector<1x128xf32>
    %swap3A_41 = arith.constant 0 : index
    %swap3A_42 = arith.constant 0 : index
    %swap3A_43 = vector.load %arg8[%swap3A_41, %swap3A_42] : memref<1x128xf32, #tpu.memory_space<vmem>>, vector<1x128xf32>
    tpu.vector_store %arg8[%swap3A_41, %swap3A_42], %add3A_40 {strides = array<i32>} : memref<1x128xf32, #tpu.memory_space<vmem>>, vector<1x128xf32>,
    return
  }
  func.func @transform_0(%arg0: i32) -> (i32, i32) {
    %c0_i32 = arith.constant 0 : i32
    %c0_i32_0 = arith.constant 0 : i32
    return %arg0, %c0_i32 : i32, i32
  }
  func.func @transform_1(%arg0: i32) -> (i32, i32) {
    %c0_i32 = arith.constant 0 : i32
    %c0_i32_0 = arith.constant 0 : i32
    %c0_i32_1 = arith.constant 0 : i32
    return %c0_i32, %c0_i32_0 : i32, i32
  }
  func.func @transform_2(%arg0: i32) -> (i32, i32) {
    %c0_i32 = arith.constant 0 : i32
    %c0_i32_0 = arith.constant 0 : i32
    %c0_i32_1 = arith.constant 0 : i32
    return %c0_i32, %c0_i32_0 : i32, i32
  }
  func.func @transform_3(%arg0: i32) -> (i32, i32) {
    %c0_i32 = arith.constant 0 : i32
    %c0_i32_0 = arith.constant 0 : i32
    %c0_i32_1 = arith.constant 0 : i32
    return %c0_i32, %c0_i32_0 : i32, i32
  }
  func.func @transform_4(%arg0: i32) -> (i32, i32) {
    %c0_i32 = arith.constant 0 : i32
    %c0_i32_0 = arith.constant 0 : i32
    %c0_i32_1 = arith.constant 0 : i32
    return %c0_i32, %c0_i32_0 : i32, i32
  }
  func.func @transform_5(%arg0: i32) -> (i32, i32) {
    %c0_i32 = arith.constant 0 : i32
    %c0_i32_0 = arith.constant 0 : i32
    return %arg0, %c0_i32 : i32, i32
  }
  func.func @transform_6(%arg0: i32) -> (i32, i32) {
    %c0_i32 = arith.constant 0 : i32
    %c0_i32_0 = arith.constant 0 : i32
    %c0_i32_1 = arith.constant 0 : i32
    return %c0_i32, %c0_i32_0 : i32, i32
  }
  func.func @transform_7(%arg0: i32) -> (i32, i32) {
    %c0_i32 = arith.constant 0 : i32
    %c0_i32_0 = arith.constant 0 : i32
    %c0_i32_1 = arith.constant 0 : i32
    return %c0_i32, %c0_i32_0 : i32, i32
  }
}

module attributes {stable_mosaic.version = 14 : i64} {
  func.func @_mlp_mid_body(%arg0: i32, %arg1: memref<8192x128xf32, #tpu.memory_space<vmem>>, %arg2: memref<1x128xf32, #tpu.memory_space<vmem>>, %arg3: memref<1x128xf32, #tpu.memory_space<vmem>>, %arg4: memref<128x256xf32, #tpu.memory_space<vmem>>, %arg5: memref<1x256xf32, #tpu.memory_space<vmem>>, %arg6: memref<8192x256xf32, #tpu.memory_space<vmem>>, %arg7: memref<1x256xf32, #tpu.memory_space<vmem>>, %arg8: memref<1x256xf32, #tpu.memory_space<vmem>>) attributes {dimension_semantics = [#tpu.dimension_semantics<arbitrary>], iteration_bounds = array<i64: 16>, scalar_prefetch = 0 : i64, scratch_operands = 0 : i64, tpu.core_type = #tpu.core_type<tc>, window_params = [{transform_indices = @transform_0, window_bounds = array<i64: 8192, 128>}, {pipeline_mode = #tpu.pipeline_mode<synchronous>, transform_indices = @transform_1, window_bounds = array<i64: 1, 128>}, {pipeline_mode = #tpu.pipeline_mode<synchronous>, transform_indices = @transform_2, window_bounds = array<i64: 1, 128>}, {pipeline_mode = #tpu.pipeline_mode<synchronous>, transform_indices = @transform_3, window_bounds = array<i64: 128, 256>}, {pipeline_mode = #tpu.pipeline_mode<synchronous>, transform_indices = @transform_4, window_bounds = array<i64: 1, 256>}, {transform_indices = @transform_5, window_bounds = array<i64: 8192, 256>}, {pipeline_mode = #tpu.pipeline_mode<synchronous>, transform_indices = @transform_6, window_bounds = array<i64: 1, 256>}, {pipeline_mode = #tpu.pipeline_mode<synchronous>, transform_indices = @transform_7, window_bounds = array<i64: 1, 256>}]} {
    %eq3A = arith.constant 0 : i32
    %eq3A_0 = arith.cmpi eq, %arg0, %eq3A : i32
    %convert_element_type3A = arith.extui %eq3A_0 : i1 to i32
    %cond3A = arith.constant 0 : i32
    %cond3A_1 = arith.cmpi ne, %convert_element_type3A, %cond3A : i32
    scf.if %cond3A_1 {
      %broadcast_in_dim3A_44 = arith.constant 0.000000e+00 : f32
      %broadcast_in_dim3A_45 = vector.broadcast %broadcast_in_dim3A_44 : f32 to vector<1x256xf32>
      %swap3A_46 = arith.constant 0 : index
      %swap3A_47 = arith.constant 0 : index
      %swap3A_48 = vector.load %arg7[%swap3A_46, %swap3A_47] : memref<1x256xf32, #tpu.memory_space<vmem>>, vector<1x256xf32>
      tpu.vector_store %arg7[%swap3A_46, %swap3A_47], %broadcast_in_dim3A_45 {strides = array<i32>} : memref<1x256xf32, #tpu.memory_space<vmem>>, vector<1x256xf32>,
      %broadcast_in_dim3A_49 = arith.constant 0.000000e+00 : f32
      %broadcast_in_dim3A_50 = vector.broadcast %broadcast_in_dim3A_49 : f32 to vector<1x256xf32>
      %swap3A_51 = arith.constant 0 : index
      %swap3A_52 = arith.constant 0 : index
      %swap3A_53 = vector.load %arg8[%swap3A_51, %swap3A_52] : memref<1x256xf32, #tpu.memory_space<vmem>>, vector<1x256xf32>
      tpu.vector_store %arg8[%swap3A_51, %swap3A_52], %broadcast_in_dim3A_50 {strides = array<i32>} : memref<1x256xf32, #tpu.memory_space<vmem>>, vector<1x256xf32>,
    } else {
    }
    %get3A = arith.constant 0 : index
    %get3A_2 = arith.constant 0 : index
    %get3A_3 = vector.load %arg1[%get3A, %get3A_2] : memref<8192x128xf32, #tpu.memory_space<vmem>>, vector<8192x128xf32>
    %get3A_4 = arith.constant 0 : index
    %get3A_5 = arith.constant 0 : index
    %get3A_6 = vector.load %arg2[%get3A_4, %get3A_5] : memref<1x128xf32, #tpu.memory_space<vmem>>, vector<1x128xf32>
    %mul3A = vector.broadcast %get3A_6 : vector<1x128xf32> to vector<8192x128xf32>
    %mul3A_7 = arith.mulf %get3A_3, %mul3A : vector<8192x128xf32>
    %get3A_8 = arith.constant 0 : index
    %get3A_9 = arith.constant 0 : index
    %get3A_10 = vector.load %arg3[%get3A_8, %get3A_9] : memref<1x128xf32, #tpu.memory_space<vmem>>, vector<1x128xf32>
    %add3A = vector.broadcast %get3A_10 : vector<1x128xf32> to vector<8192x128xf32>
    %add3A_11 = arith.addf %mul3A_7, %add3A : vector<8192x128xf32>
    %max3A = arith.constant 0.000000e+00 : f32
    %max3A_12 = vector.broadcast %max3A : f32 to vector<8192x128xf32>
    %max3A_13 = arith.maximumf %add3A_11, %max3A_12 : vector<8192x128xf32>
    %get3A_14 = arith.constant 0 : index
    %get3A_15 = arith.constant 0 : index
    %get3A_16 = vector.load %arg4[%get3A_14, %get3A_15] : memref<128x256xf32, #tpu.memory_space<vmem>>, vector<128x256xf32>
    %dot_general3A = arith.constant dense<0.000000e+00> : vector<8192x256xf32>
    %dot_general3A_17 = tpu.matmul %max3A_13, %get3A_16, %dot_general3A {dimension_numbers = #tpu.dot_dimension_numbers<[1], [0], [0], [1], [0, 0, 1, 1], [], []>, transpose_lhs_hint = false} : vector<8192x128xf32>, vector<128x256xf32>, vector<8192x256xf32> -> vector<8192x256xf32>
    %get3A_18 = arith.constant 0 : index
    %get3A_19 = arith.constant 0 : index
    %get3A_20 = vector.load %arg5[%get3A_18, %get3A_19] : memref<1x256xf32, #tpu.memory_space<vmem>>, vector<1x256xf32>
    %add3A_21 = vector.broadcast %get3A_20 : vector<1x256xf32> to vector<8192x256xf32>
    %add3A_22 = arith.addf %dot_general3A_17, %add3A_21 : vector<8192x256xf32>
    %swap3A = arith.constant 0 : index
    %swap3A_23 = arith.constant 0 : index
    %swap3A_24 = vector.load %arg6[%swap3A, %swap3A_23] : memref<8192x256xf32, #tpu.memory_space<vmem>>, vector<8192x256xf32>
    tpu.vector_store %arg6[%swap3A, %swap3A_23], %add3A_22 {strides = array<i32>} : memref<8192x256xf32, #tpu.memory_space<vmem>>, vector<8192x256xf32>,
    %get3A_25 = arith.constant 0 : index
    %get3A_26 = arith.constant 0 : index
    %get3A_27 = vector.load %arg7[%get3A_25, %get3A_26] : memref<1x256xf32, #tpu.memory_space<vmem>>, vector<1x256xf32>
    %reduce_sum3A = arith.constant dense<0.000000e+00> : vector<256xf32>
    %reduce_sum3A_28 = vector.multi_reduction <add>, %add3A_22, %reduce_sum3A [0] : vector<8192x256xf32> to vector<256xf32>
    %broadcast_in_dim3A = vector.shape_cast %reduce_sum3A_28 : vector<256xf32> to vector<1x256xf32>
    %add3A_29 = arith.addf %get3A_27, %broadcast_in_dim3A : vector<1x256xf32>
    %swap3A_30 = arith.constant 0 : index
    %swap3A_31 = arith.constant 0 : index
    %swap3A_32 = vector.load %arg7[%swap3A_30, %swap3A_31] : memref<1x256xf32, #tpu.memory_space<vmem>>, vector<1x256xf32>
    tpu.vector_store %arg7[%swap3A_30, %swap3A_31], %add3A_29 {strides = array<i32>} : memref<1x256xf32, #tpu.memory_space<vmem>>, vector<1x256xf32>,
    %get3A_33 = arith.constant 0 : index
    %get3A_34 = arith.constant 0 : index
    %get3A_35 = vector.load %arg8[%get3A_33, %get3A_34] : memref<1x256xf32, #tpu.memory_space<vmem>>, vector<1x256xf32>
    %mul3A_36 = arith.mulf %add3A_22, %add3A_22 : vector<8192x256xf32>
    %reduce_sum3A_37 = arith.constant dense<0.000000e+00> : vector<256xf32>
    %reduce_sum3A_38 = vector.multi_reduction <add>, %mul3A_36, %reduce_sum3A_37 [0] : vector<8192x256xf32> to vector<256xf32>
    %broadcast_in_dim3A_39 = vector.shape_cast %reduce_sum3A_38 : vector<256xf32> to vector<1x256xf32>
    %add3A_40 = arith.addf %get3A_35, %broadcast_in_dim3A_39 : vector<1x256xf32>
    %swap3A_41 = arith.constant 0 : index
    %swap3A_42 = arith.constant 0 : index
    %swap3A_43 = vector.load %arg8[%swap3A_41, %swap3A_42] : memref<1x256xf32, #tpu.memory_space<vmem>>, vector<1x256xf32>
    tpu.vector_store %arg8[%swap3A_41, %swap3A_42], %add3A_40 {strides = array<i32>} : memref<1x256xf32, #tpu.memory_space<vmem>>, vector<1x256xf32>,
    return
  }
  func.func @transform_0(%arg0: i32) -> (i32, i32) {
    %c0_i32 = arith.constant 0 : i32
    %c0_i32_0 = arith.constant 0 : i32
    return %arg0, %c0_i32 : i32, i32
  }
  func.func @transform_1(%arg0: i32) -> (i32, i32) {
    %c0_i32 = arith.constant 0 : i32
    %c0_i32_0 = arith.constant 0 : i32
    %c0_i32_1 = arith.constant 0 : i32
    return %c0_i32, %c0_i32_0 : i32, i32
  }
  func.func @transform_2(%arg0: i32) -> (i32, i32) {
    %c0_i32 = arith.constant 0 : i32
    %c0_i32_0 = arith.constant 0 : i32
    %c0_i32_1 = arith.constant 0 : i32
    return %c0_i32, %c0_i32_0 : i32, i32
  }
  func.func @transform_3(%arg0: i32) -> (i32, i32) {
    %c0_i32 = arith.constant 0 : i32
    %c0_i32_0 = arith.constant 0 : i32
    %c0_i32_1 = arith.constant 0 : i32
    return %c0_i32, %c0_i32_0 : i32, i32
  }
  func.func @transform_4(%arg0: i32) -> (i32, i32) {
    %c0_i32 = arith.constant 0 : i32
    %c0_i32_0 = arith.constant 0 : i32
    %c0_i32_1 = arith.constant 0 : i32
    return %c0_i32, %c0_i32_0 : i32, i32
  }
  func.func @transform_5(%arg0: i32) -> (i32, i32) {
    %c0_i32 = arith.constant 0 : i32
    %c0_i32_0 = arith.constant 0 : i32
    return %arg0, %c0_i32 : i32, i32
  }
  func.func @transform_6(%arg0: i32) -> (i32, i32) {
    %c0_i32 = arith.constant 0 : i32
    %c0_i32_0 = arith.constant 0 : i32
    %c0_i32_1 = arith.constant 0 : i32
    return %c0_i32, %c0_i32_0 : i32, i32
  }
  func.func @transform_7(%arg0: i32) -> (i32, i32) {
    %c0_i32 = arith.constant 0 : i32
    %c0_i32_0 = arith.constant 0 : i32
    %c0_i32_1 = arith.constant 0 : i32
    return %c0_i32, %c0_i32_0 : i32, i32
  }
}

module attributes {stable_mosaic.version = 14 : i64} {
  func.func @_mlp_d_body(%arg0: i32, %arg1: memref<8192x256xf32, #tpu.memory_space<vmem>>, %arg2: memref<1x256xf32, #tpu.memory_space<vmem>>, %arg3: memref<1x256xf32, #tpu.memory_space<vmem>>, %arg4: memref<256x384xf32, #tpu.memory_space<vmem>>, %arg5: memref<1x384xf32, #tpu.memory_space<vmem>>, %arg6: memref<256x384xf32, #tpu.memory_space<vmem>>, %arg7: memref<256x384xf32, #tpu.memory_space<vmem>>) attributes {dimension_semantics = [#tpu.dimension_semantics<arbitrary>], iteration_bounds = array<i64: 16>, scalar_prefetch = 0 : i64, scratch_operands = 0 : i64, tpu.core_type = #tpu.core_type<tc>, window_params = [{transform_indices = @transform_0, window_bounds = array<i64: 8192, 256>}, {pipeline_mode = #tpu.pipeline_mode<synchronous>, transform_indices = @transform_1, window_bounds = array<i64: 1, 256>}, {pipeline_mode = #tpu.pipeline_mode<synchronous>, transform_indices = @transform_2, window_bounds = array<i64: 1, 256>}, {pipeline_mode = #tpu.pipeline_mode<synchronous>, transform_indices = @transform_3, window_bounds = array<i64: 256, 384>}, {pipeline_mode = #tpu.pipeline_mode<synchronous>, transform_indices = @transform_4, window_bounds = array<i64: 1, 384>}, {transform_indices = @transform_5, window_bounds = array<i64: 256, 384>}, {transform_indices = @transform_6, window_bounds = array<i64: 256, 384>}]} {
    %get3A = arith.constant 0 : index
    %get3A_0 = arith.constant 0 : index
    %get3A_1 = vector.load %arg1[%get3A, %get3A_0] : memref<8192x256xf32, #tpu.memory_space<vmem>>, vector<8192x256xf32>
    %get3A_2 = arith.constant 0 : index
    %get3A_3 = arith.constant 0 : index
    %get3A_4 = vector.load %arg2[%get3A_2, %get3A_3] : memref<1x256xf32, #tpu.memory_space<vmem>>, vector<1x256xf32>
    %mul3A = vector.broadcast %get3A_4 : vector<1x256xf32> to vector<8192x256xf32>
    %mul3A_5 = arith.mulf %get3A_1, %mul3A : vector<8192x256xf32>
    %get3A_6 = arith.constant 0 : index
    %get3A_7 = arith.constant 0 : index
    %get3A_8 = vector.load %arg3[%get3A_6, %get3A_7] : memref<1x256xf32, #tpu.memory_space<vmem>>, vector<1x256xf32>
    %add3A = vector.broadcast %get3A_8 : vector<1x256xf32> to vector<8192x256xf32>
    %add3A_9 = arith.addf %mul3A_5, %add3A : vector<8192x256xf32>
    %max3A = arith.constant 0.000000e+00 : f32
    %max3A_10 = vector.broadcast %max3A : f32 to vector<8192x256xf32>
    %max3A_11 = arith.maximumf %add3A_9, %max3A_10 : vector<8192x256xf32>
    %get3A_12 = arith.constant 0 : index
    %get3A_13 = arith.constant 0 : index
    %get3A_14 = vector.load %arg4[%get3A_12, %get3A_13] : memref<256x384xf32, #tpu.memory_space<vmem>>, vector<256x384xf32>
    %dot_general3A = arith.constant dense<0.000000e+00> : vector<8192x384xf32>
    %dot_general3A_15 = tpu.matmul %max3A_11, %get3A_14, %dot_general3A {dimension_numbers = #tpu.dot_dimension_numbers<[1], [0], [0], [1], [0, 0, 1, 1], [], []>, transpose_lhs_hint = false} : vector<8192x256xf32>, vector<256x384xf32>, vector<8192x384xf32> -> vector<8192x384xf32>
    %get3A_16 = arith.constant 0 : index
    %get3A_17 = arith.constant 0 : index
    %get3A_18 = vector.load %arg5[%get3A_16, %get3A_17] : memref<1x384xf32, #tpu.memory_space<vmem>>, vector<1x384xf32>
    %add3A_19 = vector.broadcast %get3A_18 : vector<1x384xf32> to vector<8192x384xf32>
    %add3A_20 = arith.addf %dot_general3A_15, %add3A_19 : vector<8192x384xf32>
    %reshape3A = vector.shape_cast %add3A_20 : vector<8192x384xf32> to vector<256x32x384xf32>
    %reduce_max3A = arith.constant dense<0xFF800000> : vector<256x384xf32>
    %reduce_max3A_21 = vector.multi_reduction <maximumf>, %reshape3A, %reduce_max3A [1] : vector<256x32x384xf32> to vector<256x384xf32>
    %get3A_22 = arith.constant 0 : index
    %get3A_23 = arith.constant 0 : index
    %get3A_24 = vector.load %arg6[%get3A_22, %get3A_23] : memref<256x384xf32, #tpu.memory_space<vmem>>, vector<256x384xf32>
    %add3A_25 = arith.addf %reduce_max3A_21, %get3A_24 : vector<256x384xf32>
    %swap3A = arith.constant 0 : index
    %swap3A_26 = arith.constant 0 : index
    %swap3A_27 = vector.load %arg7[%swap3A, %swap3A_26] : memref<256x384xf32, #tpu.memory_space<vmem>>, vector<256x384xf32>
    tpu.vector_store %arg7[%swap3A, %swap3A_26], %add3A_25 {strides = array<i32>} : memref<256x384xf32, #tpu.memory_space<vmem>>, vector<256x384xf32>,
    return
  }
  func.func @transform_0(%arg0: i32) -> (i32, i32) {
    %c0_i32 = arith.constant 0 : i32
    %c0_i32_0 = arith.constant 0 : i32
    return %arg0, %c0_i32 : i32, i32
  }
  func.func @transform_1(%arg0: i32) -> (i32, i32) {
    %c0_i32 = arith.constant 0 : i32
    %c0_i32_0 = arith.constant 0 : i32
    %c0_i32_1 = arith.constant 0 : i32
    return %c0_i32, %c0_i32_0 : i32, i32
  }
  func.func @transform_2(%arg0: i32) -> (i32, i32) {
    %c0_i32 = arith.constant 0 : i32
    %c0_i32_0 = arith.constant 0 : i32
    %c0_i32_1 = arith.constant 0 : i32
    return %c0_i32, %c0_i32_0 : i32, i32
  }
  func.func @transform_3(%arg0: i32) -> (i32, i32) {
    %c0_i32 = arith.constant 0 : i32
    %c0_i32_0 = arith.constant 0 : i32
    %c0_i32_1 = arith.constant 0 : i32
    return %c0_i32, %c0_i32_0 : i32, i32
  }
  func.func @transform_4(%arg0: i32) -> (i32, i32) {
    %c0_i32 = arith.constant 0 : i32
    %c0_i32_0 = arith.constant 0 : i32
    %c0_i32_1 = arith.constant 0 : i32
    return %c0_i32, %c0_i32_0 : i32, i32
  }
  func.func @transform_5(%arg0: i32) -> (i32, i32) {
    %c0_i32 = arith.constant 0 : i32
    %c0_i32_0 = arith.constant 0 : i32
    return %arg0, %c0_i32 : i32, i32
  }
  func.func @transform_6(%arg0: i32) -> (i32, i32) {
    %c0_i32 = arith.constant 0 : i32
    %c0_i32_0 = arith.constant 0 : i32
    return %arg0, %c0_i32 : i32, i32
  }
}

</mosaic_0001>

<sc_bundles>
// kernel: kernel.9.cloned.1.call-start
scs
__scs_entry_jumppad:
0x0: {  	(pc) =	sbr.rel $0x88, $3  }
0x1: {  	(tag) =	ssettag $0x0;
	lr =	simm.s32 $0x1  }
0x2: {  	[smem:$0x3F8E] =	sst lr;
	_ =	strace $0xD0000000  }
0x3: {  	_ = 	snop  }
0x4: {  	_ = 	snop  }
0x5: {  	_ = 	snop  }
0x6: {  	_ = 	snop  }
0x7: {  	_ = 	snop  }
__scs_overlays_trampoline_lowered:
0x8: {  	[smem:$0x3F9D] =	sst s0  }
0x9: {  	[smem:$0x3F9E] =	sst s1  }
0xa: {  	[smem:$0x3F9F] =	sst s2  }
0xb: {  	[smem:$0x3FA0] =	sst s3  }
0xc: {  	[smem:$0x3FA1] =	sst s4  }
0xd: {  	[smem:$0x3FA2] =	sst s5  }
0xe: {  	[smem:$0x3FA3] =	sst s6  }
0xf: {  	[smem:$0x3FA4] =	sst s7  }
0x10: {  	[smem:$0x3FA5] =	sst s8  }
0x11: {  	[smem:$0x3FA6] =	sst s9;
	s0 =	simm.s32 @!p0 $0x0  }
0x12: {  	s1 =	sld [smem:$0x3F8C];
	s0 =	simm.s32 @p0 $0x1  }
0x13: {  	[smem:$0x3FA7] =	sst s0;
	s0 =	simm.s32 @!p1 $0x0  }
0x14: {  	s2 =	sld [smem:$0x3F8B];
	s0 =	simm.s32 @p1 $0x1  }
0x15: {  	[smem:$0x3FA8] =	sst s0;
	s0 =	simm.s32 @!p2 $0x0  }
0x16: {  	s3 =	sld [smem:$0x3FDB];
	s0 =	simm.s32 @p2 $0x1  }
0x17: {  	s4 =	simm.s32 $0x1BF5;
	[smem:$0x3FAA] =	sst s0  }
0x18: {  	s0 =	sld [smem:$0x3F8D];
	_ =	swait.ge [sflag:s4], $0x0  }
0x19: {  	s7 =	sld [smem:$0x3F8E]  }
0x1a: {  	s8 =	sadd.s32 $0xFFFFE003, lr  }
0x1b: {  	s9 =	sadd.s32 $0xFFFFFEF7, lr;
	s5 =	simm.s32 $0xFFFFFFFF;
	p2 =	slt.u32 s8, $0xFFFFF086  }
0x1c: {  	p1 =	slt.u32 s9, $0xF7A;
	s5 =	simm.s32 @!p2 $0x0  }
0x1d: {  	s5 =	simm.s32 @p1 $0x1;
	p0 =	seq.s32 s7, s2  }
0x1e: {  	s7 =	smul.u32 @!p0 $0xF7A, s2;
	p2 =	seq.s32 @!p0 s5, $0x0  }
0x1f: {  	s9 =	smul.u32 $0xF7A, s1;
	s8 =	simm.s32 @!p0 $0x1BF5;
	p2 =	por !p2, p0  }
0x20: {  	[sflag:s8] =	ssyncset.s32 @!p0 $0xFFFFF086;
	s6 =	sadd.s32 @!p0 s3, s7;
	s7 =	simm.s32 @!p0 $0x108  }
0x21: {  	s3 =	sadd.s32 s3, s9;
	s6 =	sadd.s32 @!p0 $0x88, s6;
	s7 =	simm.s32 @p2 $0x1082  }
0x22: {  	[simem:s7], [sflag:s8] =	dma.local @!p0 [hbm:s6], $0xF7A  }
0x23: {  	s9 =	sor.u32 $0xD0000000, s2;
	s6 =	simm.s32 $0x108;
	_ =	swait.ge @!p0 [sflag:s8], $0x0  }
0x24: {  	s3 =	sadd.s32 $0x88, s3;
	s6 =	simm.s32 @!p1 $0x1082;
	[sflag:s4] =	ssyncset.s32 $0xFFFFF086  }
0x25: {  	[simem:s6], [sflag:s4] =	dma.local [hbm:s3], $0xF7A  }
0x26: {  	[smem:$0x3F8E] =	sst s1;
	(tag) =	ssettag s2;
	_ =	strace s9  }
0x27: {  	s1 =	sld [smem:$0x3F9E]  }
0x28: {  	s2 =	sld [smem:$0x3F9F]  }
0x29: {  	s4 =	sld [smem:$0x3FA1]  }
0x2a: {  	p0 =	seq.s32 s5, $0x0;
	s5 =	sld [smem:$0x3FA2]  }
0x2b: {  	s6 =	sld [smem:$0x3FA3]  }
0x2c: {  	s7 =	sld [smem:$0x3FA4]  }
0x2d: {  	s3 =	simm.s32 $0x108;
	s8 =	sld [smem:$0x3FA5]  }
0x2e: {  	s3 =	simm.s32 @!p0 $0x1082;
	s9 =	sld [smem:$0x3FA6]  }
0x2f: {  	lr =	sadd.s32 s0, s3;
	s0 =	sld [smem:$0x3F9D]  }
0x30: {  	s3 =	sld [smem:$0x3FA0]  }
0x31: {  	[smem:$0x3FA9] =	sst s10  }
0x32: {  	s10 =	sld [smem:$0x3FA7];
	_ =	sdelay $0x3  }
0x33: {  	p0 =	seq.s32 s10, $0x1;
	s10 =	sld [smem:$0x3FA9];
	_ =	sdelay $0x3  }
0x34: {  	[smem:$0x3FA9] =	sst s10  }
0x35: {  	s10 =	sld [smem:$0x3FA8];
	_ =	sdelay $0x3  }
0x36: {  	p1 =	seq.s32 s10, $0x1;
	s10 =	sld [smem:$0x3FA9];
	_ =	sdelay $0x3  }
0x37: {  	[smem:$0x3FA9] =	sst s10  }
0x38: {  	s10 =	sld [smem:$0x3FAA]  }
0x39: {  	_ = 	snop;
	(pc) =	sbr.ind lr, $3  }
0x3a: {  	_ = 	snop  }
0x3b: {  	_ = 	snop  }
0x3c: {  	p2 =	seq.s32 s10, $0x1;
	s10 =	sld [smem:$0x3FA9]  }
0x3d: {  	_ =	shalt  }
0x3e: {  	_ =	shalt  }
0x3f: {  	_ =	shalt  }
0x40: {  	_ =	shalt  }
0x41: {  	_ =	shalt  }
0x42: {  	_ =	shalt  }
0x43: {  	_ =	shalt  }
0x44: {  	_ =	shalt  }
0x45: {  	_ =	shalt  }
0x46: {  	_ =	shalt  }
0x47: {  	_ =	shalt  }
0x48: {  	_ =	shalt  }
0x49: {  	_ =	shalt  }
0x4a: {  	_ =	shalt  }
0x4b: {  	_ =	shalt  }
0x4c: {  	_ =	shalt  }
0x4d: {  	_ =	shalt  }
0x4e: {  	_ =	shalt  }
0x4f: {  	_ =	shalt  }
0x50: {  	_ =	shalt  }
0x51: {  	_ =	shalt  }
0x52: {  	_ =	shalt  }
0x53: {  	_ =	shalt  }
0x54: {  	_ =	shalt  }
0x55: {  	_ =	shalt  }
0x56: {  	_ =	shalt  }
0x57: {  	_ =	shalt  }
0x58: {  	_ =	shalt  }
0x59: {  	_ =	shalt  }
0x5a: {  	_ =	shalt  }
0x5b: {  	_ =	shalt  }
0x5c: {  	_ =	shalt  }
0x5d: {  	_ =	shalt  }
0x5e: {  	_ =	shalt  }
0x5f: {  	_ =	shalt  }
0x60: {  	_ =	shalt  }
0x61: {  	_ =	shalt  }
0x62: {  	_ =	shalt  }
0x63: {  	_ =	shalt  }
0x64: {  	_ =	shalt  }
0x65: {  	_ =	shalt  }
0x66: {  	_ =	shalt  }
0x67: {  	_ =	shalt  }
0x68: {  	_ =	shalt  }
0x69: {  	_ =	shalt  }
0x6a: {  	_ =	shalt  }
0x6b: {  	_ =	shalt  }
0x6c: {  	_ =	shalt  }
0x6d: {  	_ =	shalt  }
0x6e: {  	_ =	shalt  }
0x6f: {  	_ =	shalt  }
0x70: {  	_ =	shalt  }
0x71: {  	_ =	shalt  }
0x72: {  	_ =	shalt  }
0x73: {  	_ =	shalt  }
0x74: {  	_ =	shalt  }
0x75: {  	_ =	shalt  }
0x76: {  	_ =	shalt  }
0x77: {  	_ =	shalt  }
0x78: {  	_ =	shalt  }
0x79: {  	_ =	shalt  }
0x7a: {  	_ =	shalt  }
0x7b: {  	_ =	shalt  }
0x7c: {  	_ =	shalt  }
0x7d: {  	_ =	shalt  }
0x7e: {  	_ =	shalt  }
0x7f: {  	_ =	shalt  }
0x80: {  	_ =	shalt  }
0x81: {  	_ =	shalt  }
0x82: {  	_ =	shalt  }
0x83: {  	_ =	shalt  }
0x84: {  	_ =	shalt  }
0x85: {  	_ =	shalt  }
0x86: {  	_ =	shalt  }
0x87: {  	_ =	shalt  }
.Lfunc_end0:
.L_simem_size_0:
called_computation_lowered:
.L_overlay_start_0:
0x88: {  	s2 =	sld [smem:$0x3FD9]  }
0x89: {  	s3 =	sld [smem:$0x3FFE];
	_ =	sdelay $0x1  }
0x8a: {  	s1 =	srdreg.scid  }
0x8b: {  	s0 =	sand.u32 $0x1, s1  }
0x8c: {  	s14 =	sshll.u32 s0, $0xA;
	s2 =	sadd.s32 s3, s2  }
0x8d: {  	s2 =	sadd.s32 s2, s14  }
0x8e: {  	[smem:$0x3FB5] =	sst s2  }
0x8f: {  	_ = 	snop  }
0x90: {  	s2 =	sld [smem:$0x3FD0];
	_ =	sdelay $0x2  }
0x91: {  	s15 =	simm.s32 $0xA;
	s4 =	simm.s32 $0x10  }
0x92: {  	[smem:s4], [sflag:s15] =	dma.local [hbm:s2], $0x1  }
0x93: {  	_ =	swait.eq [sflag:s15], $0x1  }
0x94: {  	[sflag:s15] =	ssyncset.done $0x0  }
0x95: {  	[sflag:s15] =	ssyncadd.s32 $0xFFFFFFFF  }
0x96: {  	s16 =	sld [smem:$0x10];
	(tm) =	ssettm $0x1  }
0x97: {  	s17 =	sld [smem:$0x3FFB];
	_ =	sdelay $0x3  }
0x98: {  	_ =	strace s17  }
0x99: {  	s3 =	sld [smem:$0x3FFC];
	_ =	sdelay $0x3  }
0x9a: {  	_ =	strace s3  }
0x9b: {  	s3 =	sld [smem:$0x3FFD];
	_ =	sdelay $0x3  }
0x9c: {  	_ =	strace s3  }
0x9d: {  	_ =	strace $0x8FFFFFFF  }
0x9e: {  	s18 =	sld [smem:$0x3FDB];
	_ =	sdelay $0x1  }
0x9f: {  	s19 =	simm.s32 $_scs_section_size  }
0xa0: {  	s5 =	simm.s32 $_size__tile_overlayer_lowered;
	s6 =	simm.s32 $_tile_overlayer_lowered  }
0xa1: {  	s22 =	simm.s32 $0x1BFF;
	s21 =	sshll.u32 s6, $0x1;
	s3 =	sadd.s32 s19, s18  }
0xa2: {  	s7 =	simm.s32 $0x0;
	s20 =	sshll.u32 s5, $0x1;
	s5 =	sadd.s32 s21, s3  }
0xa3: {  	[timem:s7], [sflag:s22] =	dma.local [hbm:s5], s20  }
0xa4: {  	_ =	swait.ge [sflag:s22], s20  }
0xa5: {  	s4 =	ssub.s32 $0x0, s20;
	[sflag:s22] =	ssyncset.done $0x0  }
0xa6: {  	[sflag:s22] =	ssyncadd.s32 s4;
	_ =	sdelay $0x1  }
0xa7: {  	s23 =	simm.s32 $0x1B8B  }
0xa8: {  	_ =	swait.ge [sflag:s23], $0x1  }
0xa9: {  	[sflag:s23] =	ssyncset.done $0x0  }
0xaa: {  	s25 =	simm.s32 $0x1B8E;
	s24 =	sld [smem:$0x3FFE];
	[sflag:s23] =	ssyncadd.s32 $0xFFFFFFFF  }
0xab: {  	s26 =	simm.s32 $execute0_lowered;
	[smem:$0x3FD2] =	sst s25  }
0xac: {  	s5 =	sshll.u32 s26, $0x1;
	_ =	strace $0x80000046;
	[dreg:$0x1] =	wrdreg $0xFFFFFFFF  }
0xad: {  	s28 =	simm.s32 $_size_execute0_lowered;
	s3 =	sadd.s32 s3, s5;
	[dreg:$0x0] =	wrdreg $0x0  }
0xae: {  	s5 =	sshll.u32 s28, $0x1;
	[dreg:$0x2] =	wrdreg s3  }
0xaf: {  	[dreg:$0x3] =	wrdreg s5  }
0xb0: {  	[dreg:$0x4] =	wrdreg $0xC0  }
0xb1: {  	_ =	task [dreg:s7], $0x5FFFF  }
0xb2: {  	[dreg:$0x1] =	wrdreg $0xFFFFFFFF  }
0xb3: {  	[dreg:$0x0] =	wrdreg $0x60  }
0xb4: {  	[dreg:$0x2] =	wrdreg s16  }
0xb5: {  	[dreg:$0x3] =	wrdreg s24  }
0xb6: {  	[dreg:$0x4] =	wrdreg $0x9  }
0xb7: {  	_ =	task.clear_ibuf [dreg:s7], $0x5FFFF;
	_ =	strace $0x90000046  }
0xb8: {  	s29 =	simm.s32 $0x9;
	_ =	strace $0x80000048  }
0xb9: {  	_ =	swait.ge [sflag:s29], $0x1  }
0xba: {  	[sflag:s29] =	ssyncadd.s32 $0xFFFFFFFF  }
0xbb: {  	_ =	strace $0x90000048  }
0xbc: {  	_ =	sfence  }
0xbd: {  	s30 =	sld [smem:$0x0];
	_ =	sdelay $0x2  }
0xbe: {  	s31 =	sshll.u32 s1, $0xD;
	s1 =	sshrl.u32 s1, $0x2  }
0xbf: {  	s3 =	sand.u32 $0x4000, s31;
	s1 =	sadd.s32 s1, s30  }
0xc0: {  	s0 =	sor.u32 s3, s0;
	s1 =	sshll.u32 s1, $0x11  }
0xc1: {  	s0 =	sor.u32 s1, s0  }
0xc2: {  	s0 =	sadd.s32 $0x8F2B, s0  }
0xc3: {  	[sflag:s0] =	ssyncadd.remote.s32 $0x1  }
0xc4: {  	_ =	sfence.sel $0xFFFF  }
0xc5: {  	[dreg:$0x0] =	wrdreg $0xFFFFFFFF;
	(pc) =	sbr.abs _section_cstart, $3  }
0xc6: {  	[dreg:$0x1] =	wrdreg $0xFFFFFFFF  }
0xc7: {  	_ =	task.clear_ibuf [dreg:s7], $0x2FFFF;
	_ =	strace $0x9FFFFFFF  }
0xc8: {  	(tm) =	ssettm $0x7FFFFFFF  }
0xc9: {  	_ =	shalt  }
tec
execute0_lowered:
.L_overlay_start_1:
0x0: {  	(tag) =	ssettag $0x1  }
0x1: {  	s1 =	rddreg [dreg:$0x0]  }
0x2: {  	s4 =	rddreg [dreg:$0x1]  }
0x3: {  	s0 =	rddreg [dreg:$0x2]  }
0x4: {  	s3 =	simm.s32 $0x0;
	s5 =	srdreg.scid;
	s2 =	stileid.u32  }
0x5: {  	s9 =	simm.s32 $0x1;
	s10 =	simm.s32 $0x0;
	[smem:$0x7FF] =	sst s3  }
0x6: {  	s5 =	sand.u32 $0x1, s5;
	s6 =	sshll.u32 s2, $0xA;
	s7 =	sshll.u32 s2, $0xE  }
0x7: {  	_ =	strace $0x80000047;
	s8 =	ssub.s32 $0x2, s5;
	s6 =	sadd.s32 s6, s4  }
0x8: {  	s7 =	sadd.s32 s7, s4;
	s31 =	sshll.u32 s5, $0xD;
	s5 =	sshll.u32 s5, $0x9  }
0x9: {  	s30 =	sshrl.u32 s8, $0x1;
	s7 =	sadd.s32 s31, s7;
	s6 =	sadd.s32 s5, s6  }
0xa: {  	s4 =	ssub.s32 s8, s30;
	s5 =	sadd.s32 $0x4A00, s7;
	s6 =	sadd.s32 $0x104E00, s6  }
0xb: {  	s7 =	simm.s32 $0x2;
	s8 =	simm.s32 $0x80;
	s4 =	smax.u32 s4, $0x1  }
.LBB2_1:
0xc: {  	s11 =	sadd.s32 $0x0, s6  }
0xd: {  	[tilespmem:s3], [sflag:$0x2] =	stream.linear.gather [hbm4b:s11+s3], $0x80, $0x38;
	[tilespmem:$0x880] =	vst v63  }
0xe: {  	_ =	swait.ge [sflag:s7], $0x80  }
0xf: {  	[sflag:s7] =	ssyncset.done $0x0  }
0x10: {  	[sflag:s7] =	ssyncadd.s32 $0xFFFFFF80  }
0x11: {  	[tilespmem:s8], [sflag:$0x1] =	stream.indirect.gather [hbm4b:s1+s8], $0x10, s3, s8, $0xb8;
	[tilespmem:$0x880] =	vst v63  }
0x12: {  	_ =	swait.ge [sflag:s9], $0x800  }
0x13: {  	[sflag:s9] =	ssyncset.done $0x0  }
0x14: {  	[sflag:s9] =	ssyncadd.s32 $0xFFFFF800  }
0x15: {  	[hbm4b:s5+s3] =	stream.linear.scatter [tilespmem:s8], [sflag:$0x2], $0x800, $0x38;
	[tilespmem:$0x880] =	vst v63  }
0x16: {  	s12 =	simm.s32 $0x10;
	_ =	swait.ge [sflag:s7], $0x800  }
0x17: {  	s13 =	simm.s32 $0x20;
	s11 =	sadd.s32 $0x100, s5;
	[sflag:s7] =	ssyncset.done $0x0  }
.LBB2_2:
0x18: {  	s14 =	sadd.s32 s12, s6  }
0x19: {  	[sflag:s7] =	ssyncadd.s32 $0xFFFFF800;
	s12 =	smov.u32 s13;
	s15 =	sadd.s32 $0x10, s13  }
0x1a: {  	[tilespmem:s3], [sflag:$0x2] =	stream.linear.gather [hbm4b:s14+s3], $0x80, $0x38;
	[tilespmem:$0x880] =	vst v63  }
0x1b: {  	p0 =	sne.s32 s13, $0x1F0;
	_ =	swait.ge [sflag:s7], $0x80  }
0x1c: {  	[sflag:s7] =	ssyncset.done $0x0  }
0x1d: {  	[sflag:s7] =	ssyncadd.s32 $0xFFFFFF80  }
0x1e: {  	[tilespmem:s8], [sflag:$0x1] =	stream.indirect.gather [hbm4b:s1+s8], $0x10, s3, s8, $0xb8;
	[tilespmem:$0x880] =	vst v63  }
0x1f: {  	_ =	swait.ge [sflag:s9], $0x800  }
.Ltmp0:
0x20: {  	[sflag:s9] =	ssyncset.done $0x0;
	(pc) =	sbr.rel @p0 .LBB2_2-.Ltmp0, $4  }
0x21: {  	[sflag:s9] =	ssyncadd.s32 $0xFFFFF800  }
0x22: {  	[hbm4b:s11+s3] =	stream.linear.scatter [tilespmem:s8], [sflag:$0x2], $0x800, $0x38;
	[tilespmem:$0x880] =	vst v63  }
0x23: {  	_ =	swait.ge [sflag:s7], $0x800  }
0x24: {  	s13 =	smov.u32 s15;
	s11 =	sadd.s32 $0x100, s11;
	[sflag:s7] =	ssyncset.done $0x0  }
0x25: {  	s12 =	sadd.s32 s12, s6;
	[sflag:s7] =	ssyncadd.s32 $0xFFFFF800  }
0x26: {  	[tilespmem:s3], [sflag:$0x2] =	stream.linear.gather [hbm4b:s12+s3], $0x80, $0x38;
	[tilespmem:$0x880] =	vst v63  }
0x27: {  	_ =	swait.ge [sflag:s7], $0x80  }
0x28: {  	[sflag:s7] =	ssyncset.done $0x0  }
0x29: {  	[sflag:s7] =	ssyncadd.s32 $0xFFFFFF80  }
0x2a: {  	[tilespmem:s8], [sflag:$0x1] =	stream.indirect.gather [hbm4b:s1+s8], $0x10, s3, s8, $0xb8;
	[tilespmem:$0x880] =	vst v63  }
0x2b: {  	s10 =	sadd.s32 $0x1, s10;
	_ =	swait.ge [sflag:s9], $0x800  }
0x2c: {  	p0 =	sne.s32 s10, s4;
	[sflag:s9] =	ssyncset.done $0x0  }
.Ltmp1:
0x2d: {  	[sflag:s9] =	ssyncadd.s32 $0xFFFFF800;
	(pc) =	sbr.rel @p0 .LBB2_1-.Ltmp1, $4  }
0x2e: {  	[hbm4b:s11+s3] =	stream.linear.scatter [tilespmem:s8], [sflag:$0x2], $0x800, $0x38;
	[tilespmem:$0x880] =	vst v63  }
0x2f: {  	_ =	swait.ge [sflag:s7], $0x800  }
0x30: {  	[sflag:s7] =	ssyncset.done $0x0  }
0x31: {  	[sflag:s7] =	ssyncadd.s32 $0xFFFFF800  }
0x32: {  	_ =	sfence.sel $0x180000  }
0x33: {  	[bflag:$0x0] =	sbarrier.arrive $0xFFFF  }
0x34: {  	p0 =	sne.s32 s2, $0x0;
	_ =	strace $0x90000047  }
0x35: {  	s0 =	sadd.s32 @!p0 $0x100000, s0;
	[bflag:$0x2] =	sbarrier.arrive $0xFFFF  }
0x36: {  	[sflag:s0] =	ssyncadd.tile.s32 @!p0 $0x1;
	_ =	shalt  }
.Lfunc_end2:
_tile_overlayer_lowered:
.L_overlay_start_2:
0x37: {  	(tag) =	ssettag $0x2  }
0x38: {  	s0 =	rddreg [dreg:$0x0];
	s2 =	stileid.u32  }
0x39: {  	s1 =	rddreg [dreg:$0x1];
	p0 =	sne.s32 s2, $0x0  }
0x3a: {  	s3 =	rddreg [dreg:$0x2];
	[bflag:$0x3] =	sbarrier.arrive $0xFFFF;
	s2 =	simm.s32 @!p0 $0x1C02  }
0x3b: {  	[timem:s3], [sflag:s2] =	dma.local @!p0 [hbm:s0], s1  }
0x3c: {  	s0 =	simm.s32 @!p0 $0x2  }
0x3d: {  	_ =	swait.ge @!p0 [sflag:s0], s1  }
0x3e: {  	s1 =	ssub.s32 @!p0 $0x0, s1;
	[sflag:s0] =	ssyncset.done @!p0 $0x0  }
0x3f: {  	[sflag:s0] =	ssyncadd.s32 @!p0 s1  }
0x40: {  	[bflag:$0x3] =	sbarrier.arrive $0xFFFF  }
0x41: {  	_ =	shalt  }

</sc_bundles>
